<compile_context>
chip_gen: v7x
topology: tpu7x:2x2x1
jax: 0.10.2.dev20260603
libtpu: 0.0.44.dev20260713+nightly
codegen_flags: <defaults>
</compile_context>

<pallas_src>
import functools

import jax
import jax.numpy as jnp
from jax import lax
from jax.experimental import pallas as pl
from jax.experimental.pallas import tpu as pltpu
from jax.experimental.pallas import tpu_sc as plsc

N_NODES = 10000
N_EDGES = 320000
NC, NS = 2, 16
HALF = 5120
GARB = HALF
ACC_ROWS = HALF + 8
RPT = HALF // NS
ZROWS = 64
E_GRP = N_EDGES // NS
E_CHK = 80
K_CAP = E_GRP // E_CHK
NV = E_GRP // 16

_mesh = plsc.VectorSubcoreMesh(core_axis_name="c", subcore_axis_name="s")


def _make_agg(F):
  @functools.partial(
      pl.kernel,
      mesh=_mesh,
      out_type=jax.ShapeDtypeStruct((NC, HALF, F), jnp.float32),
      scratch_types=[
          pltpu.VMEM((K_CAP, E_CHK), jnp.int32),
          pltpu.VMEM((K_CAP, E_CHK), jnp.int32),
          pltpu.VMEM((E_CHK, F), jnp.float32),
          pltpu.VMEM((ZROWS, F), jnp.float32),
          pltpu.VMEM_SHARED((ACC_ROWS, F), jnp.float32),
          pltpu.SemaphoreType.DMA,
      ],
  )
  def agg(h_hbm, src_hbm, dst_hbm, out_hbm,
          src_v, dst_v, rows_v, zbuf_v, acc_sh, sem):
    c = lax.axis_index("c")
    s = lax.axis_index("s")
    row0 = s * RPT

    z16 = jnp.zeros((16,), jnp.float32)
    fpv = F // 16

    def zb(k, _):
      zbuf_v[k // fpv, pl.ds((k % fpv) * 16, 16)] = z16
      return 0
    lax.fori_loop(0, ZROWS * fpv, zb, 0)

    def zc(k, _):
      pltpu.sync_copy(zbuf_v, acc_sh.at[pl.ds(row0 + k * ZROWS, ZROWS)])
      return 0
    lax.fori_loop(0, RPT // ZROWS, zc, 0)
    plsc.subcore_barrier()

    pltpu.sync_copy(src_hbm.at[s], src_v)
    pltpu.sync_copy(dst_hbm.at[s], dst_v)

    zero16 = jnp.zeros((16,), jnp.int32)
    half16 = jnp.full((16,), HALF, jnp.int32)
    garb16 = jnp.full((16,), GARB, jnp.int32)
    lo16 = jnp.full((16,), c * HALF, jnp.int32)

    def remap(k, _):
      i = k // (E_CHK // 16)
      j = k % (E_CHK // 16)
      dv = dst_v[i, pl.ds(j * 16, 16)]
      rel = dv - lo16
      ok = (rel >= zero16) & (rel < half16)
      dst_v[i, pl.ds(j * 16, 16)] = jnp.where(ok, rel, garb16)
      return 0
    lax.fori_loop(0, NV, remap, 0)

    def chunk(j, _):
      pltpu.async_copy(h_hbm.at[src_v.at[j]], rows_v, sem).wait()
      pltpu.sync_copy(rows_v, acc_sh.at[dst_v.at[j]], add=True)
      return 0
    lax.fori_loop(0, K_CAP, chunk, 0)
    plsc.subcore_barrier()

    def wo(k, _):
      r = row0 + k * ZROWS
      pltpu.sync_copy(acc_sh.at[pl.ds(r, ZROWS)], zbuf_v)
      pltpu.sync_copy(zbuf_v, out_hbm.at[c, pl.ds(r, ZROWS)])
      return 0
    lax.fori_loop(0, RPT // ZROWS, wo, 0)

  return agg


_agg128 = _make_agg(128)


def _make_tc(F_out, act):
  def body(a_ref, w_ref, b_ref, o_ref):
    for c in range(NC):
      y = jax.lax.dot(a_ref[c], w_ref[...], preferred_element_type=jnp.float32)
      y = y + b_ref[...]
      o_ref[c] = jnp.maximum(y, 0.0) if act else y
  return pl.pallas_call(
      body,
      out_shape=jax.ShapeDtypeStruct((NC, HALF, F_out), jnp.float32),
  )


_tc_relu128 = _make_tc(128, True)
_tc_lin64 = _make_tc(64, False)


def kernel(features, edge_index, W0, b0, W1, b1, W2, b2):
  src2 = edge_index[0].reshape(NS, K_CAP, E_CHK)
  dst2 = edge_index[1].reshape(NS, K_CAP, E_CHK)

  a = _agg128(features, src2, dst2)
  h = _tc_relu128(a, W0, b0.reshape(1, -1))
  a = _agg128(h.reshape(NC * HALF, 128), src2, dst2)
  h = _tc_relu128(a, W1, b1.reshape(1, -1))
  a = _agg128(h.reshape(NC * HALF, 128), src2, dst2)
  out = _tc_lin64(a, W2, b2.reshape(1, -1))
  return out.reshape(NC * HALF, 64)[:N_NODES]

# --- scband reference (transcript-rebuilt; emitter-appended) ---
"""Pipeline reference for scband-gcn-16724602651157 (READ-ONLY COPY).

The authoritative reference and input builder live on the scoring server;
editing this copy changes nothing except your own understanding.
"""

import jax, jax.numpy as jnp
import numpy as np

N_NODES = 10000
N_EDGES = 320000
IN_FEATS = 128
N_HIDDEN = 128
N_CLASSES = 64


def setup_inputs(seed: int = 0) -> dict:
    key = jax.random.key(seed)
    ks = jax.random.split(key, 8)
    features = jax.random.normal(ks[0], (N_NODES, IN_FEATS), dtype=jnp.float32)
    edge_index = jax.random.randint(ks[1], (2, N_EDGES), 0, N_NODES, dtype=jnp.int64 if jax.config.jax_enable_x64 else jnp.int32).astype(jnp.int32)
    # layer 0: in_feats -> n_hidden (relu)
    W0 = jax.random.normal(ks[2], (IN_FEATS, N_HIDDEN), dtype=jnp.float32) * (1.0 / np.sqrt(IN_FEATS))
    b0 = jnp.zeros((N_HIDDEN,), dtype=jnp.float32)
    # layer 1 (n_layers-1 = 1 hidden layer): n_hidden -> n_hidden (relu)
    W1 = jax.random.normal(ks[3], (N_HIDDEN, N_HIDDEN), dtype=jnp.float32) * (1.0 / np.sqrt(N_HIDDEN))
    b1 = jnp.zeros((N_HIDDEN,), dtype=jnp.float32)
    # final layer: n_hidden -> n_classes (no activation)
    W2 = jax.random.normal(ks[4], (N_HIDDEN, N_CLASSES), dtype=jnp.float32) * (1.0 / np.sqrt(N_HIDDEN))
    b2 = jnp.zeros((N_CLASSES,), dtype=jnp.float32)
    return {"features": features, "edge_index": edge_index, "W0": W0, "b0": b0, "W1": W1, "b1": b1, "W2": W2, "b2": b2}


def _gcn_layer(h, src, dst, W, b, act):
    # gcn_msg: message = src node features; gcn_reduce: sum of messages
    msgs = jnp.take(h, src, axis=0)
    accum = jnp.zeros((N_NODES, h.shape[1]), dtype=h.dtype).at[dst].add(msgs)
    # NodeUpdateModule: linear (+ optional activation)
    h_new = accum @ W + b
    if act:
        h_new = jax.nn.relu(h_new)
    return h_new


def reference(features, edge_index, W0, b0, W1, b1, W2, b2):
    src = edge_index[0]
    dst = edge_index[1]
    h = features
    h = _gcn_layer(h, src, dst, W0, b0, True)
    h = _gcn_layer(h, src, dst, W1, b1, True)
    h = _gcn_layer(h, src, dst, W2, b2, False)
    return h

if __name__ == "__main__":
    import jax
    _d = setup_inputs()
    print(jax.jit(kernel)(*tuple(_d.values())))

</pallas_src>

<mosaic_0001>
#map = affine_map<(d0, d1) -> (0, 0)>
#map1 = affine_map<(d0, d1) -> (0, 0, 0)>
module attributes {stable_mosaic.version = 14 : i64} {
  func.func @agg(%arg0: i32, %arg1: i32, %arg2: memref<10000x128xf32, #tpu.memory_space<hbm>>, %arg3: memref<16x250x80xi32, #tpu.memory_space<hbm>>, %arg4: memref<16x250x80xi32, #tpu.memory_space<hbm>>, %arg5: memref<2x5120x128xf32, #tpu.memory_space<hbm>>, %arg6: memref<250x80xi32, #tpu.memory_space<vmem>>, %arg7: memref<250x80xi32, #tpu.memory_space<vmem>>, %arg8: memref<80x128xf32, #tpu.memory_space<vmem>>, %arg9: memref<64x128xf32, #tpu.memory_space<vmem>>, %arg10: memref<5128x128xf32, #tpu.memory_space<vmem_shared>>, %arg11: memref<!tpu.dma_semaphore, #tpu.memory_space<semaphore_mem>>) attributes {dimension_semantics = [#tpu.dimension_semantics<core_parallel>, #tpu.dimension_semantics<subcore_parallel>], iteration_bounds = array<i64: 2, 16>, scalar_prefetch = 0 : i64, scratch_operands = 6 : i64, tpu.core_type = #tpu.core_type<sc_vector_subcore>, window_params = [{transform_indices = #map}, {transform_indices = #map1}, {transform_indices = #map1}, {transform_indices = #map1}]} {
    %mul3A = arith.constant 320 : i32
    %mul3A_0 = arith.muli %arg1, %mul3A : i32
    %broadcast_in_dim3A = arith.constant 0.000000e+00 : f32
    %broadcast_in_dim3A_1 = vector.broadcast %broadcast_in_dim3A : f32 to vector<16xf32>
    %scan3A = arith.constant 0 : i32
    %scan3A_2 = arith.constant 0 : i32
    %scan3A_3 = arith.constant 512 : i32
    %scan3A_4 = arith.addi %scan3A_2, %scan3A_3 : i32
    %scan3A_5 = arith.constant 1 : i32
    %scan3A_6 = scf.for %scan3A_46 = %scan3A_2 to %scan3A_4 step %scan3A_5 iter_args(%scan3A_47 = %scan3A) -> (i32)  : i32 {
      %jit3A = arith.constant 8 : i32
      %div3A = arith.divsi %scan3A_46, %jit3A : i32
      %sign3A = arith.constant 0 : i32
      %sign3A_48 = arith.cmpi sgt, %scan3A_46, %sign3A : i32
      %sign3A_49 = arith.extui %sign3A_48 : i1 to i32
      %sign3A_50 = arith.constant 0 : i32
      %sign3A_51 = arith.cmpi slt, %scan3A_46, %sign3A_50 : i32
      %sign3A_52 = arith.extui %sign3A_51 : i1 to i32
      %sign3A_53 = arith.subi %sign3A_49, %sign3A_52 : i32
      %sign3A_54 = arith.constant 0 : i32
      %sign3A_55 = arith.cmpi sgt, %jit3A, %sign3A_54 : i32
      %sign3A_56 = arith.extui %sign3A_55 : i1 to i32
      %sign3A_57 = arith.constant 0 : i32
      %sign3A_58 = arith.cmpi slt, %jit3A, %sign3A_57 : i32
      %sign3A_59 = arith.extui %sign3A_58 : i1 to i32
      %sign3A_60 = arith.subi %sign3A_56, %sign3A_59 : i32
      %ne3A = arith.cmpi ne, %sign3A_53, %sign3A_60 : i32
      %rem3A = arith.remsi %scan3A_46, %jit3A : i32
      %ne3A_61 = arith.constant 0 : i32
      %ne3A_62 = arith.cmpi ne, %rem3A, %ne3A_61 : i32
      %and3A = arith.andi %ne3A, %ne3A_62 : i1
      %sub3A = arith.constant 1 : i32
      %sub3A_63 = arith.subi %div3A, %sub3A : i32
      %select_n3A = arith.select %and3A, %sub3A_63, %div3A : i32
      %jit3A_64 = arith.constant 8 : i32
      %eq3A = arith.constant 0 : i32
      %eq3A_65 = arith.cmpi eq, %jit3A_64, %eq3A : i32
      %jit3A_66 = arith.constant 1 : i32
      %select_n3A_67 = arith.select %eq3A_65, %jit3A_66, %jit3A_64 : i32
      %rem3A_68 = arith.remsi %scan3A_46, %select_n3A_67 : i32
      %ne3A_69 = arith.constant 0 : i32
      %ne3A_70 = arith.cmpi ne, %rem3A_68, %ne3A_69 : i32
      %lt3A = arith.constant 0 : i32
      %lt3A_71 = arith.cmpi slt, %rem3A_68, %lt3A : i32
      %lt3A_72 = arith.constant 0 : i32
      %lt3A_73 = arith.cmpi slt, %select_n3A_67, %lt3A_72 : i32
      %ne3A_74 = arith.xori %lt3A_71, %lt3A_73 : i1
      %and3A_75 = arith.andi %ne3A_74, %ne3A_70 : i1
      %add3A = arith.addi %rem3A_68, %select_n3A_67 : i32
      %select_n3A_76 = arith.select %and3A_75, %add3A, %rem3A_68 : i32
      %mul3A_77 = arith.constant 16 : i32
      %mul3A_78 = arith.muli %select_n3A_76, %mul3A_77 : i32
      %swap3A = arith.index_cast %select_n3A : i32 to index
      %swap3A_79 = arith.index_cast %mul3A_78 : i32 to index
      %swap3A_80 = tpu.vector_load %arg9[%swap3A, %swap3A_79] {strides = array<i32>} : memref<64x128xf32, #tpu.memory_space<vmem>>, vector<1x16xf32>,
      %swap3A_81 = vector.shape_cast %swap3A_80 : vector<1x16xf32> to vector<16xf32>
      %swap3A_82 = vector.shape_cast %broadcast_in_dim3A_1 : vector<16xf32> to vector<1x16xf32>
      tpu.vector_store %arg9[%swap3A, %swap3A_79], %swap3A_82 {strides = array<i32>} : memref<64x128xf32, #tpu.memory_space<vmem>>, vector<1x16xf32>,
      %scan3A_83 = arith.constant 0 : i32
      scf.yield %scan3A_83 : i32
    }
    %scan3A_7 = arith.constant 512 : i32
    %scan3A_8 = arith.constant 0 : i32
    %scan3A_9 = arith.constant 0 : i32
    %scan3A_10 = arith.constant 5 : i32
    %scan3A_11 = arith.addi %scan3A_9, %scan3A_10 : i32
    %scan3A_12 = arith.constant 1 : i32
    %scan3A_13 = scf.for %scan3A_46 = %scan3A_9 to %scan3A_11 step %scan3A_12 iter_args(%scan3A_47 = %scan3A_8) -> (i32)  : i32 {
      %mul3A_48 = arith.constant 64 : i32
      %mul3A_49 = arith.muli %scan3A_46, %mul3A_48 : i32
      %add3A = arith.addi %mul3A_0, %mul3A_49 : i32
      "tpu.region"() ({
        %run_scoped3A = tpu.sem_alloc : memref<!tpu.dma_semaphore, #tpu.memory_space<semaphore_mem>>
        %dma_start3A = arith.constant 0 : i32
        %dma_start3A_51 = tpu.memref_slice %arg10[%add3A, %dma_start3A] : memref<5128x128xf32, #tpu.memory_space<vmem_shared>> -> memref<64x128xf32, #tpu.memory_space<vmem_shared>>
        %dma_start3A_52 = arith.constant 0 : i32
        %dma_start3A_53 = tpu.memref_slice %arg10[%add3A, %dma_start3A_52] : memref<5128x128xf32, #tpu.memory_space<vmem_shared>> -> memref<64x128xf32, #tpu.memory_space<vmem_shared>>
        tpu.enqueue_dma source(%arg9 : memref<64x128xf32, #tpu.memory_space<vmem>>) target(%dma_start3A_53 : memref<64x128xf32, #tpu.memory_space<vmem_shared>>) target_semaphore(%run_scoped3A : memref<!tpu.dma_semaphore, #tpu.memory_space<semaphore_mem>>)
        %dma_wait3A = arith.constant 0 : i32
        %dma_wait3A_54 = tpu.memref_slice %arg10[%add3A, %dma_wait3A] : memref<5128x128xf32, #tpu.memory_space<vmem_shared>> -> memref<64x128xf32, #tpu.memory_space<vmem_shared>>
        %dma_wait3A_55 = arith.constant 0 : i32
        %dma_wait3A_56 = tpu.memref_slice %arg10[%add3A, %dma_wait3A_55] : memref<5128x128xf32, #tpu.memory_space<vmem_shared>> -> memref<64x128xf32, #tpu.memory_space<vmem_shared>>
        tpu.wait_dma2 semaphore(%run_scoped3A : memref<!tpu.dma_semaphore, #tpu.memory_space<semaphore_mem>>) src(%arg9 : memref<64x128xf32, #tpu.memory_space<vmem>>) dst(%dma_wait3A_56 : memref<64x128xf32, #tpu.memory_space<vmem_shared>>)
        tpu.yield
      }) : () -> ()
      %scan3A_50 = arith.constant 0 : i32
      scf.yield %scan3A_50 : i32
    }
    %scan3A_14 = arith.constant 5 : i32
    %barrier3A = arith.constant 0 : index
    tpu.barrier barrier_id(%barrier3A)
    "tpu.region"() ({
      %run_scoped3A = tpu.sem_alloc : memref<!tpu.dma_semaphore, #tpu.memory_space<semaphore_mem>>
      %dma_start3A = arith.constant 0 : i32
      %dma_start3A_46 = arith.constant 0 : i32
      %dma_start3A_47 = tpu.memref_slice %arg3[%arg1, %dma_start3A, %dma_start3A_46] : memref<16x250x80xi32, #tpu.memory_space<hbm>> -> memref<1x250x80xi32, #tpu.memory_space<hbm>>
      %dma_start3A_48 = tpu.memref_squeeze %dma_start3A_47 : memref<1x250x80xi32, #tpu.memory_space<hbm>> -> memref<250x80xi32, #tpu.memory_space<hbm>>
      %dma_start3A_49 = arith.constant 0 : i32
      %dma_start3A_50 = arith.constant 0 : i32
      %dma_start3A_51 = tpu.memref_slice %arg3[%arg1, %dma_start3A_49, %dma_start3A_50] : memref<16x250x80xi32, #tpu.memory_space<hbm>> -> memref<1x250x80xi32, #tpu.memory_space<hbm>>
      %dma_start3A_52 = tpu.memref_squeeze %dma_start3A_51 : memref<1x250x80xi32, #tpu.memory_space<hbm>> -> memref<250x80xi32, #tpu.memory_space<hbm>>
      tpu.enqueue_dma source(%dma_start3A_52 : memref<250x80xi32, #tpu.memory_space<hbm>>) target(%arg6 : memref<250x80xi32, #tpu.memory_space<vmem>>) target_semaphore(%run_scoped3A : memref<!tpu.dma_semaphore, #tpu.memory_space<semaphore_mem>>)
      %dma_wait3A = arith.constant 0 : i32
      %dma_wait3A_53 = arith.constant 0 : i32
      %dma_wait3A_54 = tpu.memref_slice %arg3[%arg1, %dma_wait3A, %dma_wait3A_53] : memref<16x250x80xi32, #tpu.memory_space<hbm>> -> memref<1x250x80xi32, #tpu.memory_space<hbm>>
      %dma_wait3A_55 = tpu.memref_squeeze %dma_wait3A_54 : memref<1x250x80xi32, #tpu.memory_space<hbm>> -> memref<250x80xi32, #tpu.memory_space<hbm>>
      %dma_wait3A_56 = arith.constant 0 : i32
      %dma_wait3A_57 = arith.constant 0 : i32
      %dma_wait3A_58 = tpu.memref_slice %arg3[%arg1, %dma_wait3A_56, %dma_wait3A_57] : memref<16x250x80xi32, #tpu.memory_space<hbm>> -> memref<1x250x80xi32, #tpu.memory_space<hbm>>
      %dma_wait3A_59 = tpu.memref_squeeze %dma_wait3A_58 : memref<1x250x80xi32, #tpu.memory_space<hbm>> -> memref<250x80xi32, #tpu.memory_space<hbm>>
      tpu.wait_dma2 semaphore(%run_scoped3A : memref<!tpu.dma_semaphore, #tpu.memory_space<semaphore_mem>>) src(%dma_wait3A_59 : memref<250x80xi32, #tpu.memory_space<hbm>>) dst(%arg6 : memref<250x80xi32, #tpu.memory_space<vmem>>)
      tpu.yield
    }) : () -> ()
    "tpu.region"() ({
      %run_scoped3A = tpu.sem_alloc : memref<!tpu.dma_semaphore, #tpu.memory_space<semaphore_mem>>
      %dma_start3A = arith.constant 0 : i32
      %dma_start3A_46 = arith.constant 0 : i32
      %dma_start3A_47 = tpu.memref_slice %arg4[%arg1, %dma_start3A, %dma_start3A_46] : memref<16x250x80xi32, #tpu.memory_space<hbm>> -> memref<1x250x80xi32, #tpu.memory_space<hbm>>
      %dma_start3A_48 = tpu.memref_squeeze %dma_start3A_47 : memref<1x250x80xi32, #tpu.memory_space<hbm>> -> memref<250x80xi32, #tpu.memory_space<hbm>>
      %dma_start3A_49 = arith.constant 0 : i32
      %dma_start3A_50 = arith.constant 0 : i32
      %dma_start3A_51 = tpu.memref_slice %arg4[%arg1, %dma_start3A_49, %dma_start3A_50] : memref<16x250x80xi32, #tpu.memory_space<hbm>> -> memref<1x250x80xi32, #tpu.memory_space<hbm>>
      %dma_start3A_52 = tpu.memref_squeeze %dma_start3A_51 : memref<1x250x80xi32, #tpu.memory_space<hbm>> -> memref<250x80xi32, #tpu.memory_space<hbm>>
      tpu.enqueue_dma source(%dma_start3A_52 : memref<250x80xi32, #tpu.memory_space<hbm>>) target(%arg7 : memref<250x80xi32, #tpu.memory_space<vmem>>) target_semaphore(%run_scoped3A : memref<!tpu.dma_semaphore, #tpu.memory_space<semaphore_mem>>)
      %dma_wait3A = arith.constant 0 : i32
      %dma_wait3A_53 = arith.constant 0 : i32
      %dma_wait3A_54 = tpu.memref_slice %arg4[%arg1, %dma_wait3A, %dma_wait3A_53] : memref<16x250x80xi32, #tpu.memory_space<hbm>> -> memref<1x250x80xi32, #tpu.memory_space<hbm>>
      %dma_wait3A_55 = tpu.memref_squeeze %dma_wait3A_54 : memref<1x250x80xi32, #tpu.memory_space<hbm>> -> memref<250x80xi32, #tpu.memory_space<hbm>>
      %dma_wait3A_56 = arith.constant 0 : i32
      %dma_wait3A_57 = arith.constant 0 : i32
      %dma_wait3A_58 = tpu.memref_slice %arg4[%arg1, %dma_wait3A_56, %dma_wait3A_57] : memref<16x250x80xi32, #tpu.memory_space<hbm>> -> memref<1x250x80xi32, #tpu.memory_space<hbm>>
      %dma_wait3A_59 = tpu.memref_squeeze %dma_wait3A_58 : memref<1x250x80xi32, #tpu.memory_space<hbm>> -> memref<250x80xi32, #tpu.memory_space<hbm>>
      tpu.wait_dma2 semaphore(%run_scoped3A : memref<!tpu.dma_semaphore, #tpu.memory_space<semaphore_mem>>) src(%dma_wait3A_59 : memref<250x80xi32, #tpu.memory_space<hbm>>) dst(%arg7 : memref<250x80xi32, #tpu.memory_space<vmem>>)
      tpu.yield
    }) : () -> ()
    %broadcast_in_dim3A_15 = arith.constant 0 : i32
    %broadcast_in_dim3A_16 = vector.broadcast %broadcast_in_dim3A_15 : i32 to vector<16xi32>
    %broadcast_in_dim3A_17 = arith.constant 5120 : i32
    %broadcast_in_dim3A_18 = vector.broadcast %broadcast_in_dim3A_17 : i32 to vector<16xi32>
    %broadcast_in_dim3A_19 = arith.constant 5120 : i32
    %broadcast_in_dim3A_20 = vector.broadcast %broadcast_in_dim3A_19 : i32 to vector<16xi32>
    %mul3A_21 = arith.constant 5120 : i32
    %mul3A_22 = arith.muli %arg0, %mul3A_21 : i32
    %broadcast_in_dim3A_23 = vector.broadcast %mul3A_22 : i32 to vector<16xi32>
    %scan3A_24 = arith.constant 0 : i32
    %scan3A_25 = arith.constant 0 : i32
    %scan3A_26 = arith.constant 1250 : i32
    %scan3A_27 = arith.addi %scan3A_25, %scan3A_26 : i32
    %scan3A_28 = arith.constant 1 : i32
    %scan3A_29 = scf.for %scan3A_46 = %scan3A_25 to %scan3A_27 step %scan3A_28 iter_args(%scan3A_47 = %scan3A_24) -> (i32)  : i32 {
      %jit3A = arith.constant 5 : i32
      %div3A = arith.divsi %scan3A_46, %jit3A : i32
      %sign3A = arith.constant 0 : i32
      %sign3A_48 = arith.cmpi sgt, %scan3A_46, %sign3A : i32
      %sign3A_49 = arith.extui %sign3A_48 : i1 to i32
      %sign3A_50 = arith.constant 0 : i32
      %sign3A_51 = arith.cmpi slt, %scan3A_46, %sign3A_50 : i32
      %sign3A_52 = arith.extui %sign3A_51 : i1 to i32
      %sign3A_53 = arith.subi %sign3A_49, %sign3A_52 : i32
      %sign3A_54 = arith.constant 0 : i32
      %sign3A_55 = arith.cmpi sgt, %jit3A, %sign3A_54 : i32
      %sign3A_56 = arith.extui %sign3A_55 : i1 to i32
      %sign3A_57 = arith.constant 0 : i32
      %sign3A_58 = arith.cmpi slt, %jit3A, %sign3A_57 : i32
      %sign3A_59 = arith.extui %sign3A_58 : i1 to i32
      %sign3A_60 = arith.subi %sign3A_56, %sign3A_59 : i32
      %ne3A = arith.cmpi ne, %sign3A_53, %sign3A_60 : i32
      %rem3A = arith.remsi %scan3A_46, %jit3A : i32
      %ne3A_61 = arith.constant 0 : i32
      %ne3A_62 = arith.cmpi ne, %rem3A, %ne3A_61 : i32
      %and3A = arith.andi %ne3A, %ne3A_62 : i1
      %sub3A = arith.constant 1 : i32
      %sub3A_63 = arith.subi %div3A, %sub3A : i32
      %select_n3A = arith.select %and3A, %sub3A_63, %div3A : i32
      %jit3A_64 = arith.constant 5 : i32
      %eq3A = arith.constant 0 : i32
      %eq3A_65 = arith.cmpi eq, %jit3A_64, %eq3A : i32
      %jit3A_66 = arith.constant 1 : i32
      %select_n3A_67 = arith.select %eq3A_65, %jit3A_66, %jit3A_64 : i32
      %rem3A_68 = arith.remsi %scan3A_46, %select_n3A_67 : i32
      %ne3A_69 = arith.constant 0 : i32
      %ne3A_70 = arith.cmpi ne, %rem3A_68, %ne3A_69 : i32
      %lt3A = arith.constant 0 : i32
      %lt3A_71 = arith.cmpi slt, %rem3A_68, %lt3A : i32
      %lt3A_72 = arith.constant 0 : i32
      %lt3A_73 = arith.cmpi slt, %select_n3A_67, %lt3A_72 : i32
      %ne3A_74 = arith.xori %lt3A_71, %lt3A_73 : i1
      %and3A_75 = arith.andi %ne3A_74, %ne3A_70 : i1
      %add3A = arith.addi %rem3A_68, %select_n3A_67 : i32
      %select_n3A_76 = arith.select %and3A_75, %add3A, %rem3A_68 : i32
      %mul3A_77 = arith.constant 16 : i32
      %mul3A_78 = arith.muli %select_n3A_76, %mul3A_77 : i32
      %get3A = arith.index_cast %select_n3A : i32 to index
      %get3A_79 = arith.index_cast %mul3A_78 : i32 to index
      %get3A_80 = tpu.vector_load %arg7[%get3A, %get3A_79] {strides = array<i32>} : memref<250x80xi32, #tpu.memory_space<vmem>>, vector<1x16xi32>,
      %get3A_81 = vector.shape_cast %get3A_80 : vector<1x16xi32> to vector<16xi32>
      %sub3A_82 = arith.subi %get3A_81, %broadcast_in_dim3A_23 : vector<16xi32>
      %ge3A = arith.cmpi sge, %sub3A_82, %broadcast_in_dim3A_16 : vector<16xi32>
      %lt3A_83 = arith.cmpi slt, %sub3A_82, %broadcast_in_dim3A_18 : vector<16xi32>
      %and3A_84 = arith.andi %ge3A, %lt3A_83 : vector<16xi1>
      %select_n3A_85 = arith.select %and3A_84, %sub3A_82, %broadcast_in_dim3A_20 : vector<16xi1>, vector<16xi32>
      %mul3A_86 = arith.constant 16 : i32
      %mul3A_87 = arith.muli %select_n3A_76, %mul3A_86 : i32
      %swap3A = arith.index_cast %select_n3A : i32 to index
      %swap3A_88 = arith.index_cast %mul3A_87 : i32 to index
      %swap3A_89 = tpu.vector_load %arg7[%swap3A, %swap3A_88] {strides = array<i32>} : memref<250x80xi32, #tpu.memory_space<vmem>>, vector<1x16xi32>,
      %swap3A_90 = vector.shape_cast %swap3A_89 : vector<1x16xi32> to vector<16xi32>
      %swap3A_91 = vector.shape_cast %select_n3A_85 : vector<16xi32> to vector<1x16xi32>
      tpu.vector_store %arg7[%swap3A, %swap3A_88], %swap3A_91 {strides = array<i32>} : memref<250x80xi32, #tpu.memory_space<vmem>>, vector<1x16xi32>,
      %scan3A_92 = arith.constant 0 : i32
      scf.yield %scan3A_92 : i32
    }
    %scan3A_30 = arith.constant 1250 : i32
    %scan3A_31 = arith.constant 0 : i32
    %scan3A_32 = arith.constant 0 : i32
    %scan3A_33 = arith.constant 250 : i32
    %scan3A_34 = arith.addi %scan3A_32, %scan3A_33 : i32
    %scan3A_35 = arith.constant 1 : i32
    %scan3A_36 = scf.for %scan3A_46 = %scan3A_32 to %scan3A_34 step %scan3A_35 iter_args(%scan3A_47 = %scan3A_31) -> (i32)  : i32 {
      %dma_start3A = arith.constant 0 : i32
      %dma_start3A_48 = tpu.memref_slice %arg6[%scan3A_46, %dma_start3A] : memref<250x80xi32, #tpu.memory_space<vmem>> -> memref<1x80xi32, #tpu.memory_space<vmem>>
      %dma_start3A_49 = tpu.memref_squeeze %dma_start3A_48 : memref<1x80xi32, #tpu.memory_space<vmem>> -> memref<80xi32, #tpu.memory_space<vmem>>
      %dma_start3A_50 = arith.constant 0 : i32
      %dma_start3A_51 = arith.constant 0 : i32
      %dma_start3A_52 = tpu.memref_slice %arg2[%dma_start3A_50, %dma_start3A_51] : memref<10000x128xf32, #tpu.memory_space<hbm>> -> memref<10000x128xf32, #tpu.memory_space<hbm>>
      tpu.enqueue_indirect_dma source(%dma_start3A_52 : memref<10000x128xf32, #tpu.memory_space<hbm>>) target(%arg8 : memref<80x128xf32, #tpu.memory_space<vmem>>) offsets(%dma_start3A_49 : memref<80xi32, #tpu.memory_space<vmem>>) semaphore(%arg11 : memref<!tpu.dma_semaphore, #tpu.memory_space<semaphore_mem>>)
      %dma_wait3A = arith.constant 0 : i32
      %dma_wait3A_53 = tpu.memref_slice %arg6[%scan3A_46, %dma_wait3A] : memref<250x80xi32, #tpu.memory_space<vmem>> -> memref<1x80xi32, #tpu.memory_space<vmem>>
      %dma_wait3A_54 = tpu.memref_squeeze %dma_wait3A_53 : memref<1x80xi32, #tpu.memory_space<vmem>> -> memref<80xi32, #tpu.memory_space<vmem>>
      %dma_wait3A_55 = arith.constant 0 : i32
      %dma_wait3A_56 = arith.constant 0 : i32
      %dma_wait3A_57 = tpu.memref_slice %arg2[%dma_wait3A_55, %dma_wait3A_56] : memref<10000x128xf32, #tpu.memory_space<hbm>> -> memref<10000x128xf32, #tpu.memory_space<hbm>>
      tpu.wait_indirect_dma semaphore(%arg11 : memref<!tpu.dma_semaphore, #tpu.memory_space<semaphore_mem>>) src(%dma_wait3A_57 : memref<10000x128xf32, #tpu.memory_space<hbm>>) dst(%arg8 : memref<80x128xf32, #tpu.memory_space<vmem>>)
      "tpu.region"() ({
        %run_scoped3A = tpu.sem_alloc : memref<!tpu.dma_semaphore, #tpu.memory_space<semaphore_mem>>
        %dma_start3A_59 = arith.constant 0 : i32
        %dma_start3A_60 = tpu.memref_slice %arg7[%scan3A_46, %dma_start3A_59] : memref<250x80xi32, #tpu.memory_space<vmem>> -> memref<1x80xi32, #tpu.memory_space<vmem>>
        %dma_start3A_61 = tpu.memref_squeeze %dma_start3A_60 : memref<1x80xi32, #tpu.memory_space<vmem>> -> memref<80xi32, #tpu.memory_space<vmem>>
        %dma_start3A_62 = arith.constant 0 : i32
        %dma_start3A_63 = arith.constant 0 : i32
        %dma_start3A_64 = tpu.memref_slice %arg10[%dma_start3A_62, %dma_start3A_63] : memref<5128x128xf32, #tpu.memory_space<vmem_shared>> -> memref<5128x128xf32, #tpu.memory_space<vmem_shared>>
        tpu.enqueue_indirect_dma source(%arg8 : memref<80x128xf32, #tpu.memory_space<vmem>>) target(%dma_start3A_64 : memref<5128x128xf32, #tpu.memory_space<vmem_shared>>) offsets(%dma_start3A_61 : memref<80xi32, #tpu.memory_space<vmem>>) semaphore(%run_scoped3A : memref<!tpu.dma_semaphore, #tpu.memory_space<semaphore_mem>>) {add = true}
        %dma_wait3A_65 = arith.constant 0 : i32
        %dma_wait3A_66 = tpu.memref_slice %arg7[%scan3A_46, %dma_wait3A_65] : memref<250x80xi32, #tpu.memory_space<vmem>> -> memref<1x80xi32, #tpu.memory_space<vmem>>
        %dma_wait3A_67 = tpu.memref_squeeze %dma_wait3A_66 : memref<1x80xi32, #tpu.memory_space<vmem>> -> memref<80xi32, #tpu.memory_space<vmem>>
        %dma_wait3A_68 = arith.constant 0 : i32
        %dma_wait3A_69 = arith.constant 0 : i32
        %dma_wait3A_70 = tpu.memref_slice %arg10[%dma_wait3A_68, %dma_wait3A_69] : memref<5128x128xf32, #tpu.memory_space<vmem_shared>> -> memref<5128x128xf32, #tpu.memory_space<vmem_shared>>
        tpu.wait_indirect_dma semaphore(%run_scoped3A : memref<!tpu.dma_semaphore, #tpu.memory_space<semaphore_mem>>) src(%arg8 : memref<80x128xf32, #tpu.memory_space<vmem>>) dst(%dma_wait3A_70 : memref<5128x128xf32, #tpu.memory_space<vmem_shared>>)
        tpu.yield
      }) : () -> ()
      %scan3A_58 = arith.constant 0 : i32
      scf.yield %scan3A_58 : i32
    }
    %scan3A_37 = arith.constant 250 : i32
    %barrier3A_38 = arith.constant 0 : index
    tpu.barrier barrier_id(%barrier3A_38)
    %scan3A_39 = arith.constant 0 : i32
    %scan3A_40 = arith.constant 0 : i32
    %scan3A_41 = arith.constant 5 : i32
    %scan3A_42 = arith.addi %scan3A_40, %scan3A_41 : i32
    %scan3A_43 = arith.constant 1 : i32
    %scan3A_44 = scf.for %scan3A_46 = %scan3A_40 to %scan3A_42 step %scan3A_43 iter_args(%scan3A_47 = %scan3A_39) -> (i32)  : i32 {
      %mul3A_48 = arith.constant 64 : i32
      %mul3A_49 = arith.muli %scan3A_46, %mul3A_48 : i32
      %add3A = arith.addi %mul3A_0, %mul3A_49 : i32
      "tpu.region"() ({
        %run_scoped3A = tpu.sem_alloc : memref<!tpu.dma_semaphore, #tpu.memory_space<semaphore_mem>>
        %dma_start3A = arith.constant 0 : i32
        %dma_start3A_51 = tpu.memref_slice %arg10[%add3A, %dma_start3A] : memref<5128x128xf32, #tpu.memory_space<vmem_shared>> -> memref<64x128xf32, #tpu.memory_space<vmem_shared>>
        %dma_start3A_52 = arith.constant 0 : i32
        %dma_start3A_53 = tpu.memref_slice %arg10[%add3A, %dma_start3A_52] : memref<5128x128xf32, #tpu.memory_space<vmem_shared>> -> memref<64x128xf32, #tpu.memory_space<vmem_shared>>
        tpu.enqueue_dma source(%dma_start3A_53 : memref<64x128xf32, #tpu.memory_space<vmem_shared>>) target(%arg9 : memref<64x128xf32, #tpu.memory_space<vmem>>) target_semaphore(%run_scoped3A : memref<!tpu.dma_semaphore, #tpu.memory_space<semaphore_mem>>)
        %dma_wait3A = arith.constant 0 : i32
        %dma_wait3A_54 = tpu.memref_slice %arg10[%add3A, %dma_wait3A] : memref<5128x128xf32, #tpu.memory_space<vmem_shared>> -> memref<64x128xf32, #tpu.memory_space<vmem_shared>>
        %dma_wait3A_55 = arith.constant 0 : i32
        %dma_wait3A_56 = tpu.memref_slice %arg10[%add3A, %dma_wait3A_55] : memref<5128x128xf32, #tpu.memory_space<vmem_shared>> -> memref<64x128xf32, #tpu.memory_space<vmem_shared>>
        tpu.wait_dma2 semaphore(%run_scoped3A : memref<!tpu.dma_semaphore, #tpu.memory_space<semaphore_mem>>) src(%dma_wait3A_56 : memref<64x128xf32, #tpu.memory_space<vmem_shared>>) dst(%arg9 : memref<64x128xf32, #tpu.memory_space<vmem>>)
        tpu.yield
      }) : () -> ()
      "tpu.region"() ({
        %run_scoped3A = tpu.sem_alloc : memref<!tpu.dma_semaphore, #tpu.memory_space<semaphore_mem>>
        %dma_start3A = arith.constant 0 : i32
        %dma_start3A_51 = tpu.memref_slice %arg5[%arg0, %add3A, %dma_start3A] : memref<2x5120x128xf32, #tpu.memory_space<hbm>> -> memref<1x64x128xf32, #tpu.memory_space<hbm>>
        %dma_start3A_52 = tpu.memref_squeeze %dma_start3A_51 : memref<1x64x128xf32, #tpu.memory_space<hbm>> -> memref<64x128xf32, #tpu.memory_space<hbm>>
        %dma_start3A_53 = arith.constant 0 : i32
        %dma_start3A_54 = tpu.memref_slice %arg5[%arg0, %add3A, %dma_start3A_53] : memref<2x5120x128xf32, #tpu.memory_space<hbm>> -> memref<1x64x128xf32, #tpu.memory_space<hbm>>
        %dma_start3A_55 = tpu.memref_squeeze %dma_start3A_54 : memref<1x64x128xf32, #tpu.memory_space<hbm>> -> memref<64x128xf32, #tpu.memory_space<hbm>>
        tpu.enqueue_dma source(%arg9 : memref<64x128xf32, #tpu.memory_space<vmem>>) target(%dma_start3A_55 : memref<64x128xf32, #tpu.memory_space<hbm>>) target_semaphore(%run_scoped3A : memref<!tpu.dma_semaphore, #tpu.memory_space<semaphore_mem>>)
        %dma_wait3A = arith.constant 0 : i32
        %dma_wait3A_56 = tpu.memref_slice %arg5[%arg0, %add3A, %dma_wait3A] : memref<2x5120x128xf32, #tpu.memory_space<hbm>> -> memref<1x64x128xf32, #tpu.memory_space<hbm>>
        %dma_wait3A_57 = tpu.memref_squeeze %dma_wait3A_56 : memref<1x64x128xf32, #tpu.memory_space<hbm>> -> memref<64x128xf32, #tpu.memory_space<hbm>>
        %dma_wait3A_58 = arith.constant 0 : i32
        %dma_wait3A_59 = tpu.memref_slice %arg5[%arg0, %add3A, %dma_wait3A_58] : memref<2x5120x128xf32, #tpu.memory_space<hbm>> -> memref<1x64x128xf32, #tpu.memory_space<hbm>>
        %dma_wait3A_60 = tpu.memref_squeeze %dma_wait3A_59 : memref<1x64x128xf32, #tpu.memory_space<hbm>> -> memref<64x128xf32, #tpu.memory_space<hbm>>
        tpu.wait_dma2 semaphore(%run_scoped3A : memref<!tpu.dma_semaphore, #tpu.memory_space<semaphore_mem>>) src(%arg9 : memref<64x128xf32, #tpu.memory_space<vmem>>) dst(%dma_wait3A_60 : memref<64x128xf32, #tpu.memory_space<hbm>>)
        tpu.yield
      }) : () -> ()
      %scan3A_50 = arith.constant 0 : i32
      scf.yield %scan3A_50 : i32
    }
    %scan3A_45 = arith.constant 5 : i32
    return
  }
}

#map = affine_map<(d0, d1) -> (0, 0)>
#map1 = affine_map<(d0, d1) -> (0, 0, 0)>
module attributes {stable_mosaic.version = 14 : i64} {
  func.func @agg(%arg0: i32, %arg1: i32, %arg2: memref<10240x128xf32, #tpu.memory_space<hbm>>, %arg3: memref<16x250x80xi32, #tpu.memory_space<hbm>>, %arg4: memref<16x250x80xi32, #tpu.memory_space<hbm>>, %arg5: memref<2x5120x128xf32, #tpu.memory_space<hbm>>, %arg6: memref<250x80xi32, #tpu.memory_space<vmem>>, %arg7: memref<250x80xi32, #tpu.memory_space<vmem>>, %arg8: memref<80x128xf32, #tpu.memory_space<vmem>>, %arg9: memref<64x128xf32, #tpu.memory_space<vmem>>, %arg10: memref<5128x128xf32, #tpu.memory_space<vmem_shared>>, %arg11: memref<!tpu.dma_semaphore, #tpu.memory_space<semaphore_mem>>) attributes {dimension_semantics = [#tpu.dimension_semantics<core_parallel>, #tpu.dimension_semantics<subcore_parallel>], iteration_bounds = array<i64: 2, 16>, scalar_prefetch = 0 : i64, scratch_operands = 6 : i64, tpu.core_type = #tpu.core_type<sc_vector_subcore>, window_params = [{transform_indices = #map}, {transform_indices = #map1}, {transform_indices = #map1}, {transform_indices = #map1}]} {
    %mul3A = arith.constant 320 : i32
    %mul3A_0 = arith.muli %arg1, %mul3A : i32
    %broadcast_in_dim3A = arith.constant 0.000000e+00 : f32
    %broadcast_in_dim3A_1 = vector.broadcast %broadcast_in_dim3A : f32 to vector<16xf32>
    %scan3A = arith.constant 0 : i32
    %scan3A_2 = arith.constant 0 : i32
    %scan3A_3 = arith.constant 512 : i32
    %scan3A_4 = arith.addi %scan3A_2, %scan3A_3 : i32
    %scan3A_5 = arith.constant 1 : i32
    %scan3A_6 = scf.for %scan3A_46 = %scan3A_2 to %scan3A_4 step %scan3A_5 iter_args(%scan3A_47 = %scan3A) -> (i32)  : i32 {
      %jit3A = arith.constant 8 : i32
      %div3A = arith.divsi %scan3A_46, %jit3A : i32
      %sign3A = arith.constant 0 : i32
      %sign3A_48 = arith.cmpi sgt, %scan3A_46, %sign3A : i32
      %sign3A_49 = arith.extui %sign3A_48 : i1 to i32
      %sign3A_50 = arith.constant 0 : i32
      %sign3A_51 = arith.cmpi slt, %scan3A_46, %sign3A_50 : i32
      %sign3A_52 = arith.extui %sign3A_51 : i1 to i32
      %sign3A_53 = arith.subi %sign3A_49, %sign3A_52 : i32
      %sign3A_54 = arith.constant 0 : i32
      %sign3A_55 = arith.cmpi sgt, %jit3A, %sign3A_54 : i32
      %sign3A_56 = arith.extui %sign3A_55 : i1 to i32
      %sign3A_57 = arith.constant 0 : i32
      %sign3A_58 = arith.cmpi slt, %jit3A, %sign3A_57 : i32
      %sign3A_59 = arith.extui %sign3A_58 : i1 to i32
      %sign3A_60 = arith.subi %sign3A_56, %sign3A_59 : i32
      %ne3A = arith.cmpi ne, %sign3A_53, %sign3A_60 : i32
      %rem3A = arith.remsi %scan3A_46, %jit3A : i32
      %ne3A_61 = arith.constant 0 : i32
      %ne3A_62 = arith.cmpi ne, %rem3A, %ne3A_61 : i32
      %and3A = arith.andi %ne3A, %ne3A_62 : i1
      %sub3A = arith.constant 1 : i32
      %sub3A_63 = arith.subi %div3A, %sub3A : i32
      %select_n3A = arith.select %and3A, %sub3A_63, %div3A : i32
      %jit3A_64 = arith.constant 8 : i32
      %eq3A = arith.constant 0 : i32
      %eq3A_65 = arith.cmpi eq, %jit3A_64, %eq3A : i32
      %jit3A_66 = arith.constant 1 : i32
      %select_n3A_67 = arith.select %eq3A_65, %jit3A_66, %jit3A_64 : i32
      %rem3A_68 = arith.remsi %scan3A_46, %select_n3A_67 : i32
      %ne3A_69 = arith.constant 0 : i32
      %ne3A_70 = arith.cmpi ne, %rem3A_68, %ne3A_69 : i32
      %lt3A = arith.constant 0 : i32
      %lt3A_71 = arith.cmpi slt, %rem3A_68, %lt3A : i32
      %lt3A_72 = arith.constant 0 : i32
      %lt3A_73 = arith.cmpi slt, %select_n3A_67, %lt3A_72 : i32
      %ne3A_74 = arith.xori %lt3A_71, %lt3A_73 : i1
      %and3A_75 = arith.andi %ne3A_74, %ne3A_70 : i1
      %add3A = arith.addi %rem3A_68, %select_n3A_67 : i32
      %select_n3A_76 = arith.select %and3A_75, %add3A, %rem3A_68 : i32
      %mul3A_77 = arith.constant 16 : i32
      %mul3A_78 = arith.muli %select_n3A_76, %mul3A_77 : i32
      %swap3A = arith.index_cast %select_n3A : i32 to index
      %swap3A_79 = arith.index_cast %mul3A_78 : i32 to index
      %swap3A_80 = tpu.vector_load %arg9[%swap3A, %swap3A_79] {strides = array<i32>} : memref<64x128xf32, #tpu.memory_space<vmem>>, vector<1x16xf32>,
      %swap3A_81 = vector.shape_cast %swap3A_80 : vector<1x16xf32> to vector<16xf32>
      %swap3A_82 = vector.shape_cast %broadcast_in_dim3A_1 : vector<16xf32> to vector<1x16xf32>
      tpu.vector_store %arg9[%swap3A, %swap3A_79], %swap3A_82 {strides = array<i32>} : memref<64x128xf32, #tpu.memory_space<vmem>>, vector<1x16xf32>,
      %scan3A_83 = arith.constant 0 : i32
      scf.yield %scan3A_83 : i32
    }
    %scan3A_7 = arith.constant 512 : i32
    %scan3A_8 = arith.constant 0 : i32
    %scan3A_9 = arith.constant 0 : i32
    %scan3A_10 = arith.constant 5 : i32
    %scan3A_11 = arith.addi %scan3A_9, %scan3A_10 : i32
    %scan3A_12 = arith.constant 1 : i32
    %scan3A_13 = scf.for %scan3A_46 = %scan3A_9 to %scan3A_11 step %scan3A_12 iter_args(%scan3A_47 = %scan3A_8) -> (i32)  : i32 {
      %mul3A_48 = arith.constant 64 : i32
      %mul3A_49 = arith.muli %scan3A_46, %mul3A_48 : i32
      %add3A = arith.addi %mul3A_0, %mul3A_49 : i32
      "tpu.region"() ({
        %run_scoped3A = tpu.sem_alloc : memref<!tpu.dma_semaphore, #tpu.memory_space<semaphore_mem>>
        %dma_start3A = arith.constant 0 : i32
        %dma_start3A_51 = tpu.memref_slice %arg10[%add3A, %dma_start3A] : memref<5128x128xf32, #tpu.memory_space<vmem_shared>> -> memref<64x128xf32, #tpu.memory_space<vmem_shared>>
        %dma_start3A_52 = arith.constant 0 : i32
        %dma_start3A_53 = tpu.memref_slice %arg10[%add3A, %dma_start3A_52] : memref<5128x128xf32, #tpu.memory_space<vmem_shared>> -> memref<64x128xf32, #tpu.memory_space<vmem_shared>>
        tpu.enqueue_dma source(%arg9 : memref<64x128xf32, #tpu.memory_space<vmem>>) target(%dma_start3A_53 : memref<64x128xf32, #tpu.memory_space<vmem_shared>>) target_semaphore(%run_scoped3A : memref<!tpu.dma_semaphore, #tpu.memory_space<semaphore_mem>>)
        %dma_wait3A = arith.constant 0 : i32
        %dma_wait3A_54 = tpu.memref_slice %arg10[%add3A, %dma_wait3A] : memref<5128x128xf32, #tpu.memory_space<vmem_shared>> -> memref<64x128xf32, #tpu.memory_space<vmem_shared>>
        %dma_wait3A_55 = arith.constant 0 : i32
        %dma_wait3A_56 = tpu.memref_slice %arg10[%add3A, %dma_wait3A_55] : memref<5128x128xf32, #tpu.memory_space<vmem_shared>> -> memref<64x128xf32, #tpu.memory_space<vmem_shared>>
        tpu.wait_dma2 semaphore(%run_scoped3A : memref<!tpu.dma_semaphore, #tpu.memory_space<semaphore_mem>>) src(%arg9 : memref<64x128xf32, #tpu.memory_space<vmem>>) dst(%dma_wait3A_56 : memref<64x128xf32, #tpu.memory_space<vmem_shared>>)
        tpu.yield
      }) : () -> ()
      %scan3A_50 = arith.constant 0 : i32
      scf.yield %scan3A_50 : i32
    }
    %scan3A_14 = arith.constant 5 : i32
    %barrier3A = arith.constant 0 : index
    tpu.barrier barrier_id(%barrier3A)
    "tpu.region"() ({
      %run_scoped3A = tpu.sem_alloc : memref<!tpu.dma_semaphore, #tpu.memory_space<semaphore_mem>>
      %dma_start3A = arith.constant 0 : i32
      %dma_start3A_46 = arith.constant 0 : i32
      %dma_start3A_47 = tpu.memref_slice %arg3[%arg1, %dma_start3A, %dma_start3A_46] : memref<16x250x80xi32, #tpu.memory_space<hbm>> -> memref<1x250x80xi32, #tpu.memory_space<hbm>>
      %dma_start3A_48 = tpu.memref_squeeze %dma_start3A_47 : memref<1x250x80xi32, #tpu.memory_space<hbm>> -> memref<250x80xi32, #tpu.memory_space<hbm>>
      %dma_start3A_49 = arith.constant 0 : i32
      %dma_start3A_50 = arith.constant 0 : i32
      %dma_start3A_51 = tpu.memref_slice %arg3[%arg1, %dma_start3A_49, %dma_start3A_50] : memref<16x250x80xi32, #tpu.memory_space<hbm>> -> memref<1x250x80xi32, #tpu.memory_space<hbm>>
      %dma_start3A_52 = tpu.memref_squeeze %dma_start3A_51 : memref<1x250x80xi32, #tpu.memory_space<hbm>> -> memref<250x80xi32, #tpu.memory_space<hbm>>
      tpu.enqueue_dma source(%dma_start3A_52 : memref<250x80xi32, #tpu.memory_space<hbm>>) target(%arg6 : memref<250x80xi32, #tpu.memory_space<vmem>>) target_semaphore(%run_scoped3A : memref<!tpu.dma_semaphore, #tpu.memory_space<semaphore_mem>>)
      %dma_wait3A = arith.constant 0 : i32
      %dma_wait3A_53 = arith.constant 0 : i32
      %dma_wait3A_54 = tpu.memref_slice %arg3[%arg1, %dma_wait3A, %dma_wait3A_53] : memref<16x250x80xi32, #tpu.memory_space<hbm>> -> memref<1x250x80xi32, #tpu.memory_space<hbm>>
      %dma_wait3A_55 = tpu.memref_squeeze %dma_wait3A_54 : memref<1x250x80xi32, #tpu.memory_space<hbm>> -> memref<250x80xi32, #tpu.memory_space<hbm>>
      %dma_wait3A_56 = arith.constant 0 : i32
      %dma_wait3A_57 = arith.constant 0 : i32
      %dma_wait3A_58 = tpu.memref_slice %arg3[%arg1, %dma_wait3A_56, %dma_wait3A_57] : memref<16x250x80xi32, #tpu.memory_space<hbm>> -> memref<1x250x80xi32, #tpu.memory_space<hbm>>
      %dma_wait3A_59 = tpu.memref_squeeze %dma_wait3A_58 : memref<1x250x80xi32, #tpu.memory_space<hbm>> -> memref<250x80xi32, #tpu.memory_space<hbm>>
      tpu.wait_dma2 semaphore(%run_scoped3A : memref<!tpu.dma_semaphore, #tpu.memory_space<semaphore_mem>>) src(%dma_wait3A_59 : memref<250x80xi32, #tpu.memory_space<hbm>>) dst(%arg6 : memref<250x80xi32, #tpu.memory_space<vmem>>)
      tpu.yield
    }) : () -> ()
    "tpu.region"() ({
      %run_scoped3A = tpu.sem_alloc : memref<!tpu.dma_semaphore, #tpu.memory_space<semaphore_mem>>
      %dma_start3A = arith.constant 0 : i32
      %dma_start3A_46 = arith.constant 0 : i32
      %dma_start3A_47 = tpu.memref_slice %arg4[%arg1, %dma_start3A, %dma_start3A_46] : memref<16x250x80xi32, #tpu.memory_space<hbm>> -> memref<1x250x80xi32, #tpu.memory_space<hbm>>
      %dma_start3A_48 = tpu.memref_squeeze %dma_start3A_47 : memref<1x250x80xi32, #tpu.memory_space<hbm>> -> memref<250x80xi32, #tpu.memory_space<hbm>>
      %dma_start3A_49 = arith.constant 0 : i32
      %dma_start3A_50 = arith.constant 0 : i32
      %dma_start3A_51 = tpu.memref_slice %arg4[%arg1, %dma_start3A_49, %dma_start3A_50] : memref<16x250x80xi32, #tpu.memory_space<hbm>> -> memref<1x250x80xi32, #tpu.memory_space<hbm>>
      %dma_start3A_52 = tpu.memref_squeeze %dma_start3A_51 : memref<1x250x80xi32, #tpu.memory_space<hbm>> -> memref<250x80xi32, #tpu.memory_space<hbm>>
      tpu.enqueue_dma source(%dma_start3A_52 : memref<250x80xi32, #tpu.memory_space<hbm>>) target(%arg7 : memref<250x80xi32, #tpu.memory_space<vmem>>) target_semaphore(%run_scoped3A : memref<!tpu.dma_semaphore, #tpu.memory_space<semaphore_mem>>)
      %dma_wait3A = arith.constant 0 : i32
      %dma_wait3A_53 = arith.constant 0 : i32
      %dma_wait3A_54 = tpu.memref_slice %arg4[%arg1, %dma_wait3A, %dma_wait3A_53] : memref<16x250x80xi32, #tpu.memory_space<hbm>> -> memref<1x250x80xi32, #tpu.memory_space<hbm>>
      %dma_wait3A_55 = tpu.memref_squeeze %dma_wait3A_54 : memref<1x250x80xi32, #tpu.memory_space<hbm>> -> memref<250x80xi32, #tpu.memory_space<hbm>>
      %dma_wait3A_56 = arith.constant 0 : i32
      %dma_wait3A_57 = arith.constant 0 : i32
      %dma_wait3A_58 = tpu.memref_slice %arg4[%arg1, %dma_wait3A_56, %dma_wait3A_57] : memref<16x250x80xi32, #tpu.memory_space<hbm>> -> memref<1x250x80xi32, #tpu.memory_space<hbm>>
      %dma_wait3A_59 = tpu.memref_squeeze %dma_wait3A_58 : memref<1x250x80xi32, #tpu.memory_space<hbm>> -> memref<250x80xi32, #tpu.memory_space<hbm>>
      tpu.wait_dma2 semaphore(%run_scoped3A : memref<!tpu.dma_semaphore, #tpu.memory_space<semaphore_mem>>) src(%dma_wait3A_59 : memref<250x80xi32, #tpu.memory_space<hbm>>) dst(%arg7 : memref<250x80xi32, #tpu.memory_space<vmem>>)
      tpu.yield
    }) : () -> ()
    %broadcast_in_dim3A_15 = arith.constant 0 : i32
    %broadcast_in_dim3A_16 = vector.broadcast %broadcast_in_dim3A_15 : i32 to vector<16xi32>
    %broadcast_in_dim3A_17 = arith.constant 5120 : i32
    %broadcast_in_dim3A_18 = vector.broadcast %broadcast_in_dim3A_17 : i32 to vector<16xi32>
    %broadcast_in_dim3A_19 = arith.constant 5120 : i32
    %broadcast_in_dim3A_20 = vector.broadcast %broadcast_in_dim3A_19 : i32 to vector<16xi32>
    %mul3A_21 = arith.constant 5120 : i32
    %mul3A_22 = arith.muli %arg0, %mul3A_21 : i32
    %broadcast_in_dim3A_23 = vector.broadcast %mul3A_22 : i32 to vector<16xi32>
    %scan3A_24 = arith.constant 0 : i32
    %scan3A_25 = arith.constant 0 : i32
    %scan3A_26 = arith.constant 1250 : i32
    %scan3A_27 = arith.addi %scan3A_25, %scan3A_26 : i32
    %scan3A_28 = arith.constant 1 : i32
    %scan3A_29 = scf.for %scan3A_46 = %scan3A_25 to %scan3A_27 step %scan3A_28 iter_args(%scan3A_47 = %scan3A_24) -> (i32)  : i32 {
      %jit3A = arith.constant 5 : i32
      %div3A = arith.divsi %scan3A_46, %jit3A : i32
      %sign3A = arith.constant 0 : i32
      %sign3A_48 = arith.cmpi sgt, %scan3A_46, %sign3A : i32
      %sign3A_49 = arith.extui %sign3A_48 : i1 to i32
      %sign3A_50 = arith.constant 0 : i32
      %sign3A_51 = arith.cmpi slt, %scan3A_46, %sign3A_50 : i32
      %sign3A_52 = arith.extui %sign3A_51 : i1 to i32
      %sign3A_53 = arith.subi %sign3A_49, %sign3A_52 : i32
      %sign3A_54 = arith.constant 0 : i32
      %sign3A_55 = arith.cmpi sgt, %jit3A, %sign3A_54 : i32
      %sign3A_56 = arith.extui %sign3A_55 : i1 to i32
      %sign3A_57 = arith.constant 0 : i32
      %sign3A_58 = arith.cmpi slt, %jit3A, %sign3A_57 : i32
      %sign3A_59 = arith.extui %sign3A_58 : i1 to i32
      %sign3A_60 = arith.subi %sign3A_56, %sign3A_59 : i32
      %ne3A = arith.cmpi ne, %sign3A_53, %sign3A_60 : i32
      %rem3A = arith.remsi %scan3A_46, %jit3A : i32
      %ne3A_61 = arith.constant 0 : i32
      %ne3A_62 = arith.cmpi ne, %rem3A, %ne3A_61 : i32
      %and3A = arith.andi %ne3A, %ne3A_62 : i1
      %sub3A = arith.constant 1 : i32
      %sub3A_63 = arith.subi %div3A, %sub3A : i32
      %select_n3A = arith.select %and3A, %sub3A_63, %div3A : i32
      %jit3A_64 = arith.constant 5 : i32
      %eq3A = arith.constant 0 : i32
      %eq3A_65 = arith.cmpi eq, %jit3A_64, %eq3A : i32
      %jit3A_66 = arith.constant 1 : i32
      %select_n3A_67 = arith.select %eq3A_65, %jit3A_66, %jit3A_64 : i32
      %rem3A_68 = arith.remsi %scan3A_46, %select_n3A_67 : i32
      %ne3A_69 = arith.constant 0 : i32
      %ne3A_70 = arith.cmpi ne, %rem3A_68, %ne3A_69 : i32
      %lt3A = arith.constant 0 : i32
      %lt3A_71 = arith.cmpi slt, %rem3A_68, %lt3A : i32
      %lt3A_72 = arith.constant 0 : i32
      %lt3A_73 = arith.cmpi slt, %select_n3A_67, %lt3A_72 : i32
      %ne3A_74 = arith.xori %lt3A_71, %lt3A_73 : i1
      %and3A_75 = arith.andi %ne3A_74, %ne3A_70 : i1
      %add3A = arith.addi %rem3A_68, %select_n3A_67 : i32
      %select_n3A_76 = arith.select %and3A_75, %add3A, %rem3A_68 : i32
      %mul3A_77 = arith.constant 16 : i32
      %mul3A_78 = arith.muli %select_n3A_76, %mul3A_77 : i32
      %get3A = arith.index_cast %select_n3A : i32 to index
      %get3A_79 = arith.index_cast %mul3A_78 : i32 to index
      %get3A_80 = tpu.vector_load %arg7[%get3A, %get3A_79] {strides = array<i32>} : memref<250x80xi32, #tpu.memory_space<vmem>>, vector<1x16xi32>,
      %get3A_81 = vector.shape_cast %get3A_80 : vector<1x16xi32> to vector<16xi32>
      %sub3A_82 = arith.subi %get3A_81, %broadcast_in_dim3A_23 : vector<16xi32>
      %ge3A = arith.cmpi sge, %sub3A_82, %broadcast_in_dim3A_16 : vector<16xi32>
      %lt3A_83 = arith.cmpi slt, %sub3A_82, %broadcast_in_dim3A_18 : vector<16xi32>
      %and3A_84 = arith.andi %ge3A, %lt3A_83 : vector<16xi1>
      %select_n3A_85 = arith.select %and3A_84, %sub3A_82, %broadcast_in_dim3A_20 : vector<16xi1>, vector<16xi32>
      %mul3A_86 = arith.constant 16 : i32
      %mul3A_87 = arith.muli %select_n3A_76, %mul3A_86 : i32
      %swap3A = arith.index_cast %select_n3A : i32 to index
      %swap3A_88 = arith.index_cast %mul3A_87 : i32 to index
      %swap3A_89 = tpu.vector_load %arg7[%swap3A, %swap3A_88] {strides = array<i32>} : memref<250x80xi32, #tpu.memory_space<vmem>>, vector<1x16xi32>,
      %swap3A_90 = vector.shape_cast %swap3A_89 : vector<1x16xi32> to vector<16xi32>
      %swap3A_91 = vector.shape_cast %select_n3A_85 : vector<16xi32> to vector<1x16xi32>
      tpu.vector_store %arg7[%swap3A, %swap3A_88], %swap3A_91 {strides = array<i32>} : memref<250x80xi32, #tpu.memory_space<vmem>>, vector<1x16xi32>,
      %scan3A_92 = arith.constant 0 : i32
      scf.yield %scan3A_92 : i32
    }
    %scan3A_30 = arith.constant 1250 : i32
    %scan3A_31 = arith.constant 0 : i32
    %scan3A_32 = arith.constant 0 : i32
    %scan3A_33 = arith.constant 250 : i32
    %scan3A_34 = arith.addi %scan3A_32, %scan3A_33 : i32
    %scan3A_35 = arith.constant 1 : i32
    %scan3A_36 = scf.for %scan3A_46 = %scan3A_32 to %scan3A_34 step %scan3A_35 iter_args(%scan3A_47 = %scan3A_31) -> (i32)  : i32 {
      %dma_start3A = arith.constant 0 : i32
      %dma_start3A_48 = tpu.memref_slice %arg6[%scan3A_46, %dma_start3A] : memref<250x80xi32, #tpu.memory_space<vmem>> -> memref<1x80xi32, #tpu.memory_space<vmem>>
      %dma_start3A_49 = tpu.memref_squeeze %dma_start3A_48 : memref<1x80xi32, #tpu.memory_space<vmem>> -> memref<80xi32, #tpu.memory_space<vmem>>
      %dma_start3A_50 = arith.constant 0 : i32
      %dma_start3A_51 = arith.constant 0 : i32
      %dma_start3A_52 = tpu.memref_slice %arg2[%dma_start3A_50, %dma_start3A_51] : memref<10240x128xf32, #tpu.memory_space<hbm>> -> memref<10240x128xf32, #tpu.memory_space<hbm>>
      tpu.enqueue_indirect_dma source(%dma_start3A_52 : memref<10240x128xf32, #tpu.memory_space<hbm>>) target(%arg8 : memref<80x128xf32, #tpu.memory_space<vmem>>) offsets(%dma_start3A_49 : memref<80xi32, #tpu.memory_space<vmem>>) semaphore(%arg11 : memref<!tpu.dma_semaphore, #tpu.memory_space<semaphore_mem>>)
      %dma_wait3A = arith.constant 0 : i32
      %dma_wait3A_53 = tpu.memref_slice %arg6[%scan3A_46, %dma_wait3A] : memref<250x80xi32, #tpu.memory_space<vmem>> -> memref<1x80xi32, #tpu.memory_space<vmem>>
      %dma_wait3A_54 = tpu.memref_squeeze %dma_wait3A_53 : memref<1x80xi32, #tpu.memory_space<vmem>> -> memref<80xi32, #tpu.memory_space<vmem>>
      %dma_wait3A_55 = arith.constant 0 : i32
      %dma_wait3A_56 = arith.constant 0 : i32
      %dma_wait3A_57 = tpu.memref_slice %arg2[%dma_wait3A_55, %dma_wait3A_56] : memref<10240x128xf32, #tpu.memory_space<hbm>> -> memref<10240x128xf32, #tpu.memory_space<hbm>>
      tpu.wait_indirect_dma semaphore(%arg11 : memref<!tpu.dma_semaphore, #tpu.memory_space<semaphore_mem>>) src(%dma_wait3A_57 : memref<10240x128xf32, #tpu.memory_space<hbm>>) dst(%arg8 : memref<80x128xf32, #tpu.memory_space<vmem>>)
      "tpu.region"() ({
        %run_scoped3A = tpu.sem_alloc : memref<!tpu.dma_semaphore, #tpu.memory_space<semaphore_mem>>
        %dma_start3A_59 = arith.constant 0 : i32
        %dma_start3A_60 = tpu.memref_slice %arg7[%scan3A_46, %dma_start3A_59] : memref<250x80xi32, #tpu.memory_space<vmem>> -> memref<1x80xi32, #tpu.memory_space<vmem>>
        %dma_start3A_61 = tpu.memref_squeeze %dma_start3A_60 : memref<1x80xi32, #tpu.memory_space<vmem>> -> memref<80xi32, #tpu.memory_space<vmem>>
        %dma_start3A_62 = arith.constant 0 : i32
        %dma_start3A_63 = arith.constant 0 : i32
        %dma_start3A_64 = tpu.memref_slice %arg10[%dma_start3A_62, %dma_start3A_63] : memref<5128x128xf32, #tpu.memory_space<vmem_shared>> -> memref<5128x128xf32, #tpu.memory_space<vmem_shared>>
        tpu.enqueue_indirect_dma source(%arg8 : memref<80x128xf32, #tpu.memory_space<vmem>>) target(%dma_start3A_64 : memref<5128x128xf32, #tpu.memory_space<vmem_shared>>) offsets(%dma_start3A_61 : memref<80xi32, #tpu.memory_space<vmem>>) semaphore(%run_scoped3A : memref<!tpu.dma_semaphore, #tpu.memory_space<semaphore_mem>>) {add = true}
        %dma_wait3A_65 = arith.constant 0 : i32
        %dma_wait3A_66 = tpu.memref_slice %arg7[%scan3A_46, %dma_wait3A_65] : memref<250x80xi32, #tpu.memory_space<vmem>> -> memref<1x80xi32, #tpu.memory_space<vmem>>
        %dma_wait3A_67 = tpu.memref_squeeze %dma_wait3A_66 : memref<1x80xi32, #tpu.memory_space<vmem>> -> memref<80xi32, #tpu.memory_space<vmem>>
        %dma_wait3A_68 = arith.constant 0 : i32
        %dma_wait3A_69 = arith.constant 0 : i32
        %dma_wait3A_70 = tpu.memref_slice %arg10[%dma_wait3A_68, %dma_wait3A_69] : memref<5128x128xf32, #tpu.memory_space<vmem_shared>> -> memref<5128x128xf32, #tpu.memory_space<vmem_shared>>
        tpu.wait_indirect_dma semaphore(%run_scoped3A : memref<!tpu.dma_semaphore, #tpu.memory_space<semaphore_mem>>) src(%arg8 : memref<80x128xf32, #tpu.memory_space<vmem>>) dst(%dma_wait3A_70 : memref<5128x128xf32, #tpu.memory_space<vmem_shared>>)
        tpu.yield
      }) : () -> ()
      %scan3A_58 = arith.constant 0 : i32
      scf.yield %scan3A_58 : i32
    }
    %scan3A_37 = arith.constant 250 : i32
    %barrier3A_38 = arith.constant 0 : index
    tpu.barrier barrier_id(%barrier3A_38)
    %scan3A_39 = arith.constant 0 : i32
    %scan3A_40 = arith.constant 0 : i32
    %scan3A_41 = arith.constant 5 : i32
    %scan3A_42 = arith.addi %scan3A_40, %scan3A_41 : i32
    %scan3A_43 = arith.constant 1 : i32
    %scan3A_44 = scf.for %scan3A_46 = %scan3A_40 to %scan3A_42 step %scan3A_43 iter_args(%scan3A_47 = %scan3A_39) -> (i32)  : i32 {
      %mul3A_48 = arith.constant 64 : i32
      %mul3A_49 = arith.muli %scan3A_46, %mul3A_48 : i32
      %add3A = arith.addi %mul3A_0, %mul3A_49 : i32
      "tpu.region"() ({
        %run_scoped3A = tpu.sem_alloc : memref<!tpu.dma_semaphore, #tpu.memory_space<semaphore_mem>>
        %dma_start3A = arith.constant 0 : i32
        %dma_start3A_51 = tpu.memref_slice %arg10[%add3A, %dma_start3A] : memref<5128x128xf32, #tpu.memory_space<vmem_shared>> -> memref<64x128xf32, #tpu.memory_space<vmem_shared>>
        %dma_start3A_52 = arith.constant 0 : i32
        %dma_start3A_53 = tpu.memref_slice %arg10[%add3A, %dma_start3A_52] : memref<5128x128xf32, #tpu.memory_space<vmem_shared>> -> memref<64x128xf32, #tpu.memory_space<vmem_shared>>
        tpu.enqueue_dma source(%dma_start3A_53 : memref<64x128xf32, #tpu.memory_space<vmem_shared>>) target(%arg9 : memref<64x128xf32, #tpu.memory_space<vmem>>) target_semaphore(%run_scoped3A : memref<!tpu.dma_semaphore, #tpu.memory_space<semaphore_mem>>)
        %dma_wait3A = arith.constant 0 : i32
        %dma_wait3A_54 = tpu.memref_slice %arg10[%add3A, %dma_wait3A] : memref<5128x128xf32, #tpu.memory_space<vmem_shared>> -> memref<64x128xf32, #tpu.memory_space<vmem_shared>>
        %dma_wait3A_55 = arith.constant 0 : i32
        %dma_wait3A_56 = tpu.memref_slice %arg10[%add3A, %dma_wait3A_55] : memref<5128x128xf32, #tpu.memory_space<vmem_shared>> -> memref<64x128xf32, #tpu.memory_space<vmem_shared>>
        tpu.wait_dma2 semaphore(%run_scoped3A : memref<!tpu.dma_semaphore, #tpu.memory_space<semaphore_mem>>) src(%dma_wait3A_56 : memref<64x128xf32, #tpu.memory_space<vmem_shared>>) dst(%arg9 : memref<64x128xf32, #tpu.memory_space<vmem>>)
        tpu.yield
      }) : () -> ()
      "tpu.region"() ({
        %run_scoped3A = tpu.sem_alloc : memref<!tpu.dma_semaphore, #tpu.memory_space<semaphore_mem>>
        %dma_start3A = arith.constant 0 : i32
        %dma_start3A_51 = tpu.memref_slice %arg5[%arg0, %add3A, %dma_start3A] : memref<2x5120x128xf32, #tpu.memory_space<hbm>> -> memref<1x64x128xf32, #tpu.memory_space<hbm>>
        %dma_start3A_52 = tpu.memref_squeeze %dma_start3A_51 : memref<1x64x128xf32, #tpu.memory_space<hbm>> -> memref<64x128xf32, #tpu.memory_space<hbm>>
        %dma_start3A_53 = arith.constant 0 : i32
        %dma_start3A_54 = tpu.memref_slice %arg5[%arg0, %add3A, %dma_start3A_53] : memref<2x5120x128xf32, #tpu.memory_space<hbm>> -> memref<1x64x128xf32, #tpu.memory_space<hbm>>
        %dma_start3A_55 = tpu.memref_squeeze %dma_start3A_54 : memref<1x64x128xf32, #tpu.memory_space<hbm>> -> memref<64x128xf32, #tpu.memory_space<hbm>>
        tpu.enqueue_dma source(%arg9 : memref<64x128xf32, #tpu.memory_space<vmem>>) target(%dma_start3A_55 : memref<64x128xf32, #tpu.memory_space<hbm>>) target_semaphore(%run_scoped3A : memref<!tpu.dma_semaphore, #tpu.memory_space<semaphore_mem>>)
        %dma_wait3A = arith.constant 0 : i32
        %dma_wait3A_56 = tpu.memref_slice %arg5[%arg0, %add3A, %dma_wait3A] : memref<2x5120x128xf32, #tpu.memory_space<hbm>> -> memref<1x64x128xf32, #tpu.memory_space<hbm>>
        %dma_wait3A_57 = tpu.memref_squeeze %dma_wait3A_56 : memref<1x64x128xf32, #tpu.memory_space<hbm>> -> memref<64x128xf32, #tpu.memory_space<hbm>>
        %dma_wait3A_58 = arith.constant 0 : i32
        %dma_wait3A_59 = tpu.memref_slice %arg5[%arg0, %add3A, %dma_wait3A_58] : memref<2x5120x128xf32, #tpu.memory_space<hbm>> -> memref<1x64x128xf32, #tpu.memory_space<hbm>>
        %dma_wait3A_60 = tpu.memref_squeeze %dma_wait3A_59 : memref<1x64x128xf32, #tpu.memory_space<hbm>> -> memref<64x128xf32, #tpu.memory_space<hbm>>
        tpu.wait_dma2 semaphore(%run_scoped3A : memref<!tpu.dma_semaphore, #tpu.memory_space<semaphore_mem>>) src(%arg9 : memref<64x128xf32, #tpu.memory_space<vmem>>) dst(%dma_wait3A_60 : memref<64x128xf32, #tpu.memory_space<hbm>>)
        tpu.yield
      }) : () -> ()
      %scan3A_50 = arith.constant 0 : i32
      scf.yield %scan3A_50 : i32
    }
    %scan3A_45 = arith.constant 5 : i32
    return
  }
}

#map = affine_map<(d0, d1) -> (0, 0)>
#map1 = affine_map<(d0, d1) -> (0, 0, 0)>
module attributes {stable_mosaic.version = 14 : i64} {
  func.func @agg(%arg0: i32, %arg1: i32, %arg2: memref<10240x128xf32, #tpu.memory_space<hbm>>, %arg3: memref<16x250x80xi32, #tpu.memory_space<hbm>>, %arg4: memref<16x250x80xi32, #tpu.memory_space<hbm>>, %arg5: memref<2x5120x128xf32, #tpu.memory_space<hbm>>, %arg6: memref<250x80xi32, #tpu.memory_space<vmem>>, %arg7: memref<250x80xi32, #tpu.memory_space<vmem>>, %arg8: memref<80x128xf32, #tpu.memory_space<vmem>>, %arg9: memref<64x128xf32, #tpu.memory_space<vmem>>, %arg10: memref<5128x128xf32, #tpu.memory_space<vmem_shared>>, %arg11: memref<!tpu.dma_semaphore, #tpu.memory_space<semaphore_mem>>) attributes {dimension_semantics = [#tpu.dimension_semantics<core_parallel>, #tpu.dimension_semantics<subcore_parallel>], iteration_bounds = array<i64: 2, 16>, scalar_prefetch = 0 : i64, scratch_operands = 6 : i64, tpu.core_type = #tpu.core_type<sc_vector_subcore>, window_params = [{transform_indices = #map}, {transform_indices = #map1}, {transform_indices = #map1}, {transform_indices = #map1}]} {
    %mul3A = arith.constant 320 : i32
    %mul3A_0 = arith.muli %arg1, %mul3A : i32
    %broadcast_in_dim3A = arith.constant 0.000000e+00 : f32
    %broadcast_in_dim3A_1 = vector.broadcast %broadcast_in_dim3A : f32 to vector<16xf32>
    %scan3A = arith.constant 0 : i32
    %scan3A_2 = arith.constant 0 : i32
    %scan3A_3 = arith.constant 512 : i32
    %scan3A_4 = arith.addi %scan3A_2, %scan3A_3 : i32
    %scan3A_5 = arith.constant 1 : i32
    %scan3A_6 = scf.for %scan3A_46 = %scan3A_2 to %scan3A_4 step %scan3A_5 iter_args(%scan3A_47 = %scan3A) -> (i32)  : i32 {
      %jit3A = arith.constant 8 : i32
      %div3A = arith.divsi %scan3A_46, %jit3A : i32
      %sign3A = arith.constant 0 : i32
      %sign3A_48 = arith.cmpi sgt, %scan3A_46, %sign3A : i32
      %sign3A_49 = arith.extui %sign3A_48 : i1 to i32
      %sign3A_50 = arith.constant 0 : i32
      %sign3A_51 = arith.cmpi slt, %scan3A_46, %sign3A_50 : i32
      %sign3A_52 = arith.extui %sign3A_51 : i1 to i32
      %sign3A_53 = arith.subi %sign3A_49, %sign3A_52 : i32
      %sign3A_54 = arith.constant 0 : i32
      %sign3A_55 = arith.cmpi sgt, %jit3A, %sign3A_54 : i32
      %sign3A_56 = arith.extui %sign3A_55 : i1 to i32
      %sign3A_57 = arith.constant 0 : i32
      %sign3A_58 = arith.cmpi slt, %jit3A, %sign3A_57 : i32
      %sign3A_59 = arith.extui %sign3A_58 : i1 to i32
      %sign3A_60 = arith.subi %sign3A_56, %sign3A_59 : i32
      %ne3A = arith.cmpi ne, %sign3A_53, %sign3A_60 : i32
      %rem3A = arith.remsi %scan3A_46, %jit3A : i32
      %ne3A_61 = arith.constant 0 : i32
      %ne3A_62 = arith.cmpi ne, %rem3A, %ne3A_61 : i32
      %and3A = arith.andi %ne3A, %ne3A_62 : i1
      %sub3A = arith.constant 1 : i32
      %sub3A_63 = arith.subi %div3A, %sub3A : i32
      %select_n3A = arith.select %and3A, %sub3A_63, %div3A : i32
      %jit3A_64 = arith.constant 8 : i32
      %eq3A = arith.constant 0 : i32
      %eq3A_65 = arith.cmpi eq, %jit3A_64, %eq3A : i32
      %jit3A_66 = arith.constant 1 : i32
      %select_n3A_67 = arith.select %eq3A_65, %jit3A_66, %jit3A_64 : i32
      %rem3A_68 = arith.remsi %scan3A_46, %select_n3A_67 : i32
      %ne3A_69 = arith.constant 0 : i32
      %ne3A_70 = arith.cmpi ne, %rem3A_68, %ne3A_69 : i32
      %lt3A = arith.constant 0 : i32
      %lt3A_71 = arith.cmpi slt, %rem3A_68, %lt3A : i32
      %lt3A_72 = arith.constant 0 : i32
      %lt3A_73 = arith.cmpi slt, %select_n3A_67, %lt3A_72 : i32
      %ne3A_74 = arith.xori %lt3A_71, %lt3A_73 : i1
      %and3A_75 = arith.andi %ne3A_74, %ne3A_70 : i1
      %add3A = arith.addi %rem3A_68, %select_n3A_67 : i32
      %select_n3A_76 = arith.select %and3A_75, %add3A, %rem3A_68 : i32
      %mul3A_77 = arith.constant 16 : i32
      %mul3A_78 = arith.muli %select_n3A_76, %mul3A_77 : i32
      %swap3A = arith.index_cast %select_n3A : i32 to index
      %swap3A_79 = arith.index_cast %mul3A_78 : i32 to index
      %swap3A_80 = tpu.vector_load %arg9[%swap3A, %swap3A_79] {strides = array<i32>} : memref<64x128xf32, #tpu.memory_space<vmem>>, vector<1x16xf32>,
      %swap3A_81 = vector.shape_cast %swap3A_80 : vector<1x16xf32> to vector<16xf32>
      %swap3A_82 = vector.shape_cast %broadcast_in_dim3A_1 : vector<16xf32> to vector<1x16xf32>
      tpu.vector_store %arg9[%swap3A, %swap3A_79], %swap3A_82 {strides = array<i32>} : memref<64x128xf32, #tpu.memory_space<vmem>>, vector<1x16xf32>,
      %scan3A_83 = arith.constant 0 : i32
      scf.yield %scan3A_83 : i32
    }
    %scan3A_7 = arith.constant 512 : i32
    %scan3A_8 = arith.constant 0 : i32
    %scan3A_9 = arith.constant 0 : i32
    %scan3A_10 = arith.constant 5 : i32
    %scan3A_11 = arith.addi %scan3A_9, %scan3A_10 : i32
    %scan3A_12 = arith.constant 1 : i32
    %scan3A_13 = scf.for %scan3A_46 = %scan3A_9 to %scan3A_11 step %scan3A_12 iter_args(%scan3A_47 = %scan3A_8) -> (i32)  : i32 {
      %mul3A_48 = arith.constant 64 : i32
      %mul3A_49 = arith.muli %scan3A_46, %mul3A_48 : i32
      %add3A = arith.addi %mul3A_0, %mul3A_49 : i32
      "tpu.region"() ({
        %run_scoped3A = tpu.sem_alloc : memref<!tpu.dma_semaphore, #tpu.memory_space<semaphore_mem>>
        %dma_start3A = arith.constant 0 : i32
        %dma_start3A_51 = tpu.memref_slice %arg10[%add3A, %dma_start3A] : memref<5128x128xf32, #tpu.memory_space<vmem_shared>> -> memref<64x128xf32, #tpu.memory_space<vmem_shared>>
        %dma_start3A_52 = arith.constant 0 : i32
        %dma_start3A_53 = tpu.memref_slice %arg10[%add3A, %dma_start3A_52] : memref<5128x128xf32, #tpu.memory_space<vmem_shared>> -> memref<64x128xf32, #tpu.memory_space<vmem_shared>>
        tpu.enqueue_dma source(%arg9 : memref<64x128xf32, #tpu.memory_space<vmem>>) target(%dma_start3A_53 : memref<64x128xf32, #tpu.memory_space<vmem_shared>>) target_semaphore(%run_scoped3A : memref<!tpu.dma_semaphore, #tpu.memory_space<semaphore_mem>>)
        %dma_wait3A = arith.constant 0 : i32
        %dma_wait3A_54 = tpu.memref_slice %arg10[%add3A, %dma_wait3A] : memref<5128x128xf32, #tpu.memory_space<vmem_shared>> -> memref<64x128xf32, #tpu.memory_space<vmem_shared>>
        %dma_wait3A_55 = arith.constant 0 : i32
        %dma_wait3A_56 = tpu.memref_slice %arg10[%add3A, %dma_wait3A_55] : memref<5128x128xf32, #tpu.memory_space<vmem_shared>> -> memref<64x128xf32, #tpu.memory_space<vmem_shared>>
        tpu.wait_dma2 semaphore(%run_scoped3A : memref<!tpu.dma_semaphore, #tpu.memory_space<semaphore_mem>>) src(%arg9 : memref<64x128xf32, #tpu.memory_space<vmem>>) dst(%dma_wait3A_56 : memref<64x128xf32, #tpu.memory_space<vmem_shared>>)
        tpu.yield
      }) : () -> ()
      %scan3A_50 = arith.constant 0 : i32
      scf.yield %scan3A_50 : i32
    }
    %scan3A_14 = arith.constant 5 : i32
    %barrier3A = arith.constant 0 : index
    tpu.barrier barrier_id(%barrier3A)
    "tpu.region"() ({
      %run_scoped3A = tpu.sem_alloc : memref<!tpu.dma_semaphore, #tpu.memory_space<semaphore_mem>>
      %dma_start3A = arith.constant 0 : i32
      %dma_start3A_46 = arith.constant 0 : i32
      %dma_start3A_47 = tpu.memref_slice %arg3[%arg1, %dma_start3A, %dma_start3A_46] : memref<16x250x80xi32, #tpu.memory_space<hbm>> -> memref<1x250x80xi32, #tpu.memory_space<hbm>>
      %dma_start3A_48 = tpu.memref_squeeze %dma_start3A_47 : memref<1x250x80xi32, #tpu.memory_space<hbm>> -> memref<250x80xi32, #tpu.memory_space<hbm>>
      %dma_start3A_49 = arith.constant 0 : i32
      %dma_start3A_50 = arith.constant 0 : i32
      %dma_start3A_51 = tpu.memref_slice %arg3[%arg1, %dma_start3A_49, %dma_start3A_50] : memref<16x250x80xi32, #tpu.memory_space<hbm>> -> memref<1x250x80xi32, #tpu.memory_space<hbm>>
      %dma_start3A_52 = tpu.memref_squeeze %dma_start3A_51 : memref<1x250x80xi32, #tpu.memory_space<hbm>> -> memref<250x80xi32, #tpu.memory_space<hbm>>
      tpu.enqueue_dma source(%dma_start3A_52 : memref<250x80xi32, #tpu.memory_space<hbm>>) target(%arg6 : memref<250x80xi32, #tpu.memory_space<vmem>>) target_semaphore(%run_scoped3A : memref<!tpu.dma_semaphore, #tpu.memory_space<semaphore_mem>>)
      %dma_wait3A = arith.constant 0 : i32
      %dma_wait3A_53 = arith.constant 0 : i32
      %dma_wait3A_54 = tpu.memref_slice %arg3[%arg1, %dma_wait3A, %dma_wait3A_53] : memref<16x250x80xi32, #tpu.memory_space<hbm>> -> memref<1x250x80xi32, #tpu.memory_space<hbm>>
      %dma_wait3A_55 = tpu.memref_squeeze %dma_wait3A_54 : memref<1x250x80xi32, #tpu.memory_space<hbm>> -> memref<250x80xi32, #tpu.memory_space<hbm>>
      %dma_wait3A_56 = arith.constant 0 : i32
      %dma_wait3A_57 = arith.constant 0 : i32
      %dma_wait3A_58 = tpu.memref_slice %arg3[%arg1, %dma_wait3A_56, %dma_wait3A_57] : memref<16x250x80xi32, #tpu.memory_space<hbm>> -> memref<1x250x80xi32, #tpu.memory_space<hbm>>
      %dma_wait3A_59 = tpu.memref_squeeze %dma_wait3A_58 : memref<1x250x80xi32, #tpu.memory_space<hbm>> -> memref<250x80xi32, #tpu.memory_space<hbm>>
      tpu.wait_dma2 semaphore(%run_scoped3A : memref<!tpu.dma_semaphore, #tpu.memory_space<semaphore_mem>>) src(%dma_wait3A_59 : memref<250x80xi32, #tpu.memory_space<hbm>>) dst(%arg6 : memref<250x80xi32, #tpu.memory_space<vmem>>)
      tpu.yield
    }) : () -> ()
    "tpu.region"() ({
      %run_scoped3A = tpu.sem_alloc : memref<!tpu.dma_semaphore, #tpu.memory_space<semaphore_mem>>
      %dma_start3A = arith.constant 0 : i32
      %dma_start3A_46 = arith.constant 0 : i32
      %dma_start3A_47 = tpu.memref_slice %arg4[%arg1, %dma_start3A, %dma_start3A_46] : memref<16x250x80xi32, #tpu.memory_space<hbm>> -> memref<1x250x80xi32, #tpu.memory_space<hbm>>
      %dma_start3A_48 = tpu.memref_squeeze %dma_start3A_47 : memref<1x250x80xi32, #tpu.memory_space<hbm>> -> memref<250x80xi32, #tpu.memory_space<hbm>>
      %dma_start3A_49 = arith.constant 0 : i32
      %dma_start3A_50 = arith.constant 0 : i32
      %dma_start3A_51 = tpu.memref_slice %arg4[%arg1, %dma_start3A_49, %dma_start3A_50] : memref<16x250x80xi32, #tpu.memory_space<hbm>> -> memref<1x250x80xi32, #tpu.memory_space<hbm>>
      %dma_start3A_52 = tpu.memref_squeeze %dma_start3A_51 : memref<1x250x80xi32, #tpu.memory_space<hbm>> -> memref<250x80xi32, #tpu.memory_space<hbm>>
      tpu.enqueue_dma source(%dma_start3A_52 : memref<250x80xi32, #tpu.memory_space<hbm>>) target(%arg7 : memref<250x80xi32, #tpu.memory_space<vmem>>) target_semaphore(%run_scoped3A : memref<!tpu.dma_semaphore, #tpu.memory_space<semaphore_mem>>)
      %dma_wait3A = arith.constant 0 : i32
      %dma_wait3A_53 = arith.constant 0 : i32
      %dma_wait3A_54 = tpu.memref_slice %arg4[%arg1, %dma_wait3A, %dma_wait3A_53] : memref<16x250x80xi32, #tpu.memory_space<hbm>> -> memref<1x250x80xi32, #tpu.memory_space<hbm>>
      %dma_wait3A_55 = tpu.memref_squeeze %dma_wait3A_54 : memref<1x250x80xi32, #tpu.memory_space<hbm>> -> memref<250x80xi32, #tpu.memory_space<hbm>>
      %dma_wait3A_56 = arith.constant 0 : i32
      %dma_wait3A_57 = arith.constant 0 : i32
      %dma_wait3A_58 = tpu.memref_slice %arg4[%arg1, %dma_wait3A_56, %dma_wait3A_57] : memref<16x250x80xi32, #tpu.memory_space<hbm>> -> memref<1x250x80xi32, #tpu.memory_space<hbm>>
      %dma_wait3A_59 = tpu.memref_squeeze %dma_wait3A_58 : memref<1x250x80xi32, #tpu.memory_space<hbm>> -> memref<250x80xi32, #tpu.memory_space<hbm>>
      tpu.wait_dma2 semaphore(%run_scoped3A : memref<!tpu.dma_semaphore, #tpu.memory_space<semaphore_mem>>) src(%dma_wait3A_59 : memref<250x80xi32, #tpu.memory_space<hbm>>) dst(%arg7 : memref<250x80xi32, #tpu.memory_space<vmem>>)
      tpu.yield
    }) : () -> ()
    %broadcast_in_dim3A_15 = arith.constant 0 : i32
    %broadcast_in_dim3A_16 = vector.broadcast %broadcast_in_dim3A_15 : i32 to vector<16xi32>
    %broadcast_in_dim3A_17 = arith.constant 5120 : i32
    %broadcast_in_dim3A_18 = vector.broadcast %broadcast_in_dim3A_17 : i32 to vector<16xi32>
    %broadcast_in_dim3A_19 = arith.constant 5120 : i32
    %broadcast_in_dim3A_20 = vector.broadcast %broadcast_in_dim3A_19 : i32 to vector<16xi32>
    %mul3A_21 = arith.constant 5120 : i32
    %mul3A_22 = arith.muli %arg0, %mul3A_21 : i32
    %broadcast_in_dim3A_23 = vector.broadcast %mul3A_22 : i32 to vector<16xi32>
    %scan3A_24 = arith.constant 0 : i32
    %scan3A_25 = arith.constant 0 : i32
    %scan3A_26 = arith.constant 1250 : i32
    %scan3A_27 = arith.addi %scan3A_25, %scan3A_26 : i32
    %scan3A_28 = arith.constant 1 : i32
    %scan3A_29 = scf.for %scan3A_46 = %scan3A_25 to %scan3A_27 step %scan3A_28 iter_args(%scan3A_47 = %scan3A_24) -> (i32)  : i32 {
      %jit3A = arith.constant 5 : i32
      %div3A = arith.divsi %scan3A_46, %jit3A : i32
      %sign3A = arith.constant 0 : i32
      %sign3A_48 = arith.cmpi sgt, %scan3A_46, %sign3A : i32
      %sign3A_49 = arith.extui %sign3A_48 : i1 to i32
      %sign3A_50 = arith.constant 0 : i32
      %sign3A_51 = arith.cmpi slt, %scan3A_46, %sign3A_50 : i32
      %sign3A_52 = arith.extui %sign3A_51 : i1 to i32
      %sign3A_53 = arith.subi %sign3A_49, %sign3A_52 : i32
      %sign3A_54 = arith.constant 0 : i32
      %sign3A_55 = arith.cmpi sgt, %jit3A, %sign3A_54 : i32
      %sign3A_56 = arith.extui %sign3A_55 : i1 to i32
      %sign3A_57 = arith.constant 0 : i32
      %sign3A_58 = arith.cmpi slt, %jit3A, %sign3A_57 : i32
      %sign3A_59 = arith.extui %sign3A_58 : i1 to i32
      %sign3A_60 = arith.subi %sign3A_56, %sign3A_59 : i32
      %ne3A = arith.cmpi ne, %sign3A_53, %sign3A_60 : i32
      %rem3A = arith.remsi %scan3A_46, %jit3A : i32
      %ne3A_61 = arith.constant 0 : i32
      %ne3A_62 = arith.cmpi ne, %rem3A, %ne3A_61 : i32
      %and3A = arith.andi %ne3A, %ne3A_62 : i1
      %sub3A = arith.constant 1 : i32
      %sub3A_63 = arith.subi %div3A, %sub3A : i32
      %select_n3A = arith.select %and3A, %sub3A_63, %div3A : i32
      %jit3A_64 = arith.constant 5 : i32
      %eq3A = arith.constant 0 : i32
      %eq3A_65 = arith.cmpi eq, %jit3A_64, %eq3A : i32
      %jit3A_66 = arith.constant 1 : i32
      %select_n3A_67 = arith.select %eq3A_65, %jit3A_66, %jit3A_64 : i32
      %rem3A_68 = arith.remsi %scan3A_46, %select_n3A_67 : i32
      %ne3A_69 = arith.constant 0 : i32
      %ne3A_70 = arith.cmpi ne, %rem3A_68, %ne3A_69 : i32
      %lt3A = arith.constant 0 : i32
      %lt3A_71 = arith.cmpi slt, %rem3A_68, %lt3A : i32
      %lt3A_72 = arith.constant 0 : i32
      %lt3A_73 = arith.cmpi slt, %select_n3A_67, %lt3A_72 : i32
      %ne3A_74 = arith.xori %lt3A_71, %lt3A_73 : i1
      %and3A_75 = arith.andi %ne3A_74, %ne3A_70 : i1
      %add3A = arith.addi %rem3A_68, %select_n3A_67 : i32
      %select_n3A_76 = arith.select %and3A_75, %add3A, %rem3A_68 : i32
      %mul3A_77 = arith.constant 16 : i32
      %mul3A_78 = arith.muli %select_n3A_76, %mul3A_77 : i32
      %get3A = arith.index_cast %select_n3A : i32 to index
      %get3A_79 = arith.index_cast %mul3A_78 : i32 to index
      %get3A_80 = tpu.vector_load %arg7[%get3A, %get3A_79] {strides = array<i32>} : memref<250x80xi32, #tpu.memory_space<vmem>>, vector<1x16xi32>,
      %get3A_81 = vector.shape_cast %get3A_80 : vector<1x16xi32> to vector<16xi32>
      %sub3A_82 = arith.subi %get3A_81, %broadcast_in_dim3A_23 : vector<16xi32>
      %ge3A = arith.cmpi sge, %sub3A_82, %broadcast_in_dim3A_16 : vector<16xi32>
      %lt3A_83 = arith.cmpi slt, %sub3A_82, %broadcast_in_dim3A_18 : vector<16xi32>
      %and3A_84 = arith.andi %ge3A, %lt3A_83 : vector<16xi1>
      %select_n3A_85 = arith.select %and3A_84, %sub3A_82, %broadcast_in_dim3A_20 : vector<16xi1>, vector<16xi32>
      %mul3A_86 = arith.constant 16 : i32
      %mul3A_87 = arith.muli %select_n3A_76, %mul3A_86 : i32
      %swap3A = arith.index_cast %select_n3A : i32 to index
      %swap3A_88 = arith.index_cast %mul3A_87 : i32 to index
      %swap3A_89 = tpu.vector_load %arg7[%swap3A, %swap3A_88] {strides = array<i32>} : memref<250x80xi32, #tpu.memory_space<vmem>>, vector<1x16xi32>,
      %swap3A_90 = vector.shape_cast %swap3A_89 : vector<1x16xi32> to vector<16xi32>
      %swap3A_91 = vector.shape_cast %select_n3A_85 : vector<16xi32> to vector<1x16xi32>
      tpu.vector_store %arg7[%swap3A, %swap3A_88], %swap3A_91 {strides = array<i32>} : memref<250x80xi32, #tpu.memory_space<vmem>>, vector<1x16xi32>,
      %scan3A_92 = arith.constant 0 : i32
      scf.yield %scan3A_92 : i32
    }
    %scan3A_30 = arith.constant 1250 : i32
    %scan3A_31 = arith.constant 0 : i32
    %scan3A_32 = arith.constant 0 : i32
    %scan3A_33 = arith.constant 250 : i32
    %scan3A_34 = arith.addi %scan3A_32, %scan3A_33 : i32
    %scan3A_35 = arith.constant 1 : i32
    %scan3A_36 = scf.for %scan3A_46 = %scan3A_32 to %scan3A_34 step %scan3A_35 iter_args(%scan3A_47 = %scan3A_31) -> (i32)  : i32 {
      %dma_start3A = arith.constant 0 : i32
      %dma_start3A_48 = tpu.memref_slice %arg6[%scan3A_46, %dma_start3A] : memref<250x80xi32, #tpu.memory_space<vmem>> -> memref<1x80xi32, #tpu.memory_space<vmem>>
      %dma_start3A_49 = tpu.memref_squeeze %dma_start3A_48 : memref<1x80xi32, #tpu.memory_space<vmem>> -> memref<80xi32, #tpu.memory_space<vmem>>
      %dma_start3A_50 = arith.constant 0 : i32
      %dma_start3A_51 = arith.constant 0 : i32
      %dma_start3A_52 = tpu.memref_slice %arg2[%dma_start3A_50, %dma_start3A_51] : memref<10240x128xf32, #tpu.memory_space<hbm>> -> memref<10240x128xf32, #tpu.memory_space<hbm>>
      tpu.enqueue_indirect_dma source(%dma_start3A_52 : memref<10240x128xf32, #tpu.memory_space<hbm>>) target(%arg8 : memref<80x128xf32, #tpu.memory_space<vmem>>) offsets(%dma_start3A_49 : memref<80xi32, #tpu.memory_space<vmem>>) semaphore(%arg11 : memref<!tpu.dma_semaphore, #tpu.memory_space<semaphore_mem>>)
      %dma_wait3A = arith.constant 0 : i32
      %dma_wait3A_53 = tpu.memref_slice %arg6[%scan3A_46, %dma_wait3A] : memref<250x80xi32, #tpu.memory_space<vmem>> -> memref<1x80xi32, #tpu.memory_space<vmem>>
      %dma_wait3A_54 = tpu.memref_squeeze %dma_wait3A_53 : memref<1x80xi32, #tpu.memory_space<vmem>> -> memref<80xi32, #tpu.memory_space<vmem>>
      %dma_wait3A_55 = arith.constant 0 : i32
      %dma_wait3A_56 = arith.constant 0 : i32
      %dma_wait3A_57 = tpu.memref_slice %arg2[%dma_wait3A_55, %dma_wait3A_56] : memref<10240x128xf32, #tpu.memory_space<hbm>> -> memref<10240x128xf32, #tpu.memory_space<hbm>>
      tpu.wait_indirect_dma semaphore(%arg11 : memref<!tpu.dma_semaphore, #tpu.memory_space<semaphore_mem>>) src(%dma_wait3A_57 : memref<10240x128xf32, #tpu.memory_space<hbm>>) dst(%arg8 : memref<80x128xf32, #tpu.memory_space<vmem>>)
      "tpu.region"() ({
        %run_scoped3A = tpu.sem_alloc : memref<!tpu.dma_semaphore, #tpu.memory_space<semaphore_mem>>
        %dma_start3A_59 = arith.constant 0 : i32
        %dma_start3A_60 = tpu.memref_slice %arg7[%scan3A_46, %dma_start3A_59] : memref<250x80xi32, #tpu.memory_space<vmem>> -> memref<1x80xi32, #tpu.memory_space<vmem>>
        %dma_start3A_61 = tpu.memref_squeeze %dma_start3A_60 : memref<1x80xi32, #tpu.memory_space<vmem>> -> memref<80xi32, #tpu.memory_space<vmem>>
        %dma_start3A_62 = arith.constant 0 : i32
        %dma_start3A_63 = arith.constant 0 : i32
        %dma_start3A_64 = tpu.memref_slice %arg10[%dma_start3A_62, %dma_start3A_63] : memref<5128x128xf32, #tpu.memory_space<vmem_shared>> -> memref<5128x128xf32, #tpu.memory_space<vmem_shared>>
        tpu.enqueue_indirect_dma source(%arg8 : memref<80x128xf32, #tpu.memory_space<vmem>>) target(%dma_start3A_64 : memref<5128x128xf32, #tpu.memory_space<vmem_shared>>) offsets(%dma_start3A_61 : memref<80xi32, #tpu.memory_space<vmem>>) semaphore(%run_scoped3A : memref<!tpu.dma_semaphore, #tpu.memory_space<semaphore_mem>>) {add = true}
        %dma_wait3A_65 = arith.constant 0 : i32
        %dma_wait3A_66 = tpu.memref_slice %arg7[%scan3A_46, %dma_wait3A_65] : memref<250x80xi32, #tpu.memory_space<vmem>> -> memref<1x80xi32, #tpu.memory_space<vmem>>
        %dma_wait3A_67 = tpu.memref_squeeze %dma_wait3A_66 : memref<1x80xi32, #tpu.memory_space<vmem>> -> memref<80xi32, #tpu.memory_space<vmem>>
        %dma_wait3A_68 = arith.constant 0 : i32
        %dma_wait3A_69 = arith.constant 0 : i32
        %dma_wait3A_70 = tpu.memref_slice %arg10[%dma_wait3A_68, %dma_wait3A_69] : memref<5128x128xf32, #tpu.memory_space<vmem_shared>> -> memref<5128x128xf32, #tpu.memory_space<vmem_shared>>
        tpu.wait_indirect_dma semaphore(%run_scoped3A : memref<!tpu.dma_semaphore, #tpu.memory_space<semaphore_mem>>) src(%arg8 : memref<80x128xf32, #tpu.memory_space<vmem>>) dst(%dma_wait3A_70 : memref<5128x128xf32, #tpu.memory_space<vmem_shared>>)
        tpu.yield
      }) : () -> ()
      %scan3A_58 = arith.constant 0 : i32
      scf.yield %scan3A_58 : i32
    }
    %scan3A_37 = arith.constant 250 : i32
    %barrier3A_38 = arith.constant 0 : index
    tpu.barrier barrier_id(%barrier3A_38)
    %scan3A_39 = arith.constant 0 : i32
    %scan3A_40 = arith.constant 0 : i32
    %scan3A_41 = arith.constant 5 : i32
    %scan3A_42 = arith.addi %scan3A_40, %scan3A_41 : i32
    %scan3A_43 = arith.constant 1 : i32
    %scan3A_44 = scf.for %scan3A_46 = %scan3A_40 to %scan3A_42 step %scan3A_43 iter_args(%scan3A_47 = %scan3A_39) -> (i32)  : i32 {
      %mul3A_48 = arith.constant 64 : i32
      %mul3A_49 = arith.muli %scan3A_46, %mul3A_48 : i32
      %add3A = arith.addi %mul3A_0, %mul3A_49 : i32
      "tpu.region"() ({
        %run_scoped3A = tpu.sem_alloc : memref<!tpu.dma_semaphore, #tpu.memory_space<semaphore_mem>>
        %dma_start3A = arith.constant 0 : i32
        %dma_start3A_51 = tpu.memref_slice %arg10[%add3A, %dma_start3A] : memref<5128x128xf32, #tpu.memory_space<vmem_shared>> -> memref<64x128xf32, #tpu.memory_space<vmem_shared>>
        %dma_start3A_52 = arith.constant 0 : i32
        %dma_start3A_53 = tpu.memref_slice %arg10[%add3A, %dma_start3A_52] : memref<5128x128xf32, #tpu.memory_space<vmem_shared>> -> memref<64x128xf32, #tpu.memory_space<vmem_shared>>
        tpu.enqueue_dma source(%dma_start3A_53 : memref<64x128xf32, #tpu.memory_space<vmem_shared>>) target(%arg9 : memref<64x128xf32, #tpu.memory_space<vmem>>) target_semaphore(%run_scoped3A : memref<!tpu.dma_semaphore, #tpu.memory_space<semaphore_mem>>)
        %dma_wait3A = arith.constant 0 : i32
        %dma_wait3A_54 = tpu.memref_slice %arg10[%add3A, %dma_wait3A] : memref<5128x128xf32, #tpu.memory_space<vmem_shared>> -> memref<64x128xf32, #tpu.memory_space<vmem_shared>>
        %dma_wait3A_55 = arith.constant 0 : i32
        %dma_wait3A_56 = tpu.memref_slice %arg10[%add3A, %dma_wait3A_55] : memref<5128x128xf32, #tpu.memory_space<vmem_shared>> -> memref<64x128xf32, #tpu.memory_space<vmem_shared>>
        tpu.wait_dma2 semaphore(%run_scoped3A : memref<!tpu.dma_semaphore, #tpu.memory_space<semaphore_mem>>) src(%dma_wait3A_56 : memref<64x128xf32, #tpu.memory_space<vmem_shared>>) dst(%arg9 : memref<64x128xf32, #tpu.memory_space<vmem>>)
        tpu.yield
      }) : () -> ()
      "tpu.region"() ({
        %run_scoped3A = tpu.sem_alloc : memref<!tpu.dma_semaphore, #tpu.memory_space<semaphore_mem>>
        %dma_start3A = arith.constant 0 : i32
        %dma_start3A_51 = tpu.memref_slice %arg5[%arg0, %add3A, %dma_start3A] : memref<2x5120x128xf32, #tpu.memory_space<hbm>> -> memref<1x64x128xf32, #tpu.memory_space<hbm>>
        %dma_start3A_52 = tpu.memref_squeeze %dma_start3A_51 : memref<1x64x128xf32, #tpu.memory_space<hbm>> -> memref<64x128xf32, #tpu.memory_space<hbm>>
        %dma_start3A_53 = arith.constant 0 : i32
        %dma_start3A_54 = tpu.memref_slice %arg5[%arg0, %add3A, %dma_start3A_53] : memref<2x5120x128xf32, #tpu.memory_space<hbm>> -> memref<1x64x128xf32, #tpu.memory_space<hbm>>
        %dma_start3A_55 = tpu.memref_squeeze %dma_start3A_54 : memref<1x64x128xf32, #tpu.memory_space<hbm>> -> memref<64x128xf32, #tpu.memory_space<hbm>>
        tpu.enqueue_dma source(%arg9 : memref<64x128xf32, #tpu.memory_space<vmem>>) target(%dma_start3A_55 : memref<64x128xf32, #tpu.memory_space<hbm>>) target_semaphore(%run_scoped3A : memref<!tpu.dma_semaphore, #tpu.memory_space<semaphore_mem>>)
        %dma_wait3A = arith.constant 0 : i32
        %dma_wait3A_56 = tpu.memref_slice %arg5[%arg0, %add3A, %dma_wait3A] : memref<2x5120x128xf32, #tpu.memory_space<hbm>> -> memref<1x64x128xf32, #tpu.memory_space<hbm>>
        %dma_wait3A_57 = tpu.memref_squeeze %dma_wait3A_56 : memref<1x64x128xf32, #tpu.memory_space<hbm>> -> memref<64x128xf32, #tpu.memory_space<hbm>>
        %dma_wait3A_58 = arith.constant 0 : i32
        %dma_wait3A_59 = tpu.memref_slice %arg5[%arg0, %add3A, %dma_wait3A_58] : memref<2x5120x128xf32, #tpu.memory_space<hbm>> -> memref<1x64x128xf32, #tpu.memory_space<hbm>>
        %dma_wait3A_60 = tpu.memref_squeeze %dma_wait3A_59 : memref<1x64x128xf32, #tpu.memory_space<hbm>> -> memref<64x128xf32, #tpu.memory_space<hbm>>
        tpu.wait_dma2 semaphore(%run_scoped3A : memref<!tpu.dma_semaphore, #tpu.memory_space<semaphore_mem>>) src(%arg9 : memref<64x128xf32, #tpu.memory_space<vmem>>) dst(%dma_wait3A_60 : memref<64x128xf32, #tpu.memory_space<hbm>>)
        tpu.yield
      }) : () -> ()
      %scan3A_50 = arith.constant 0 : i32
      scf.yield %scan3A_50 : i32
    }
    %scan3A_45 = arith.constant 5 : i32
    return
  }
}

module attributes {stable_mosaic.version = 14 : i64} {
  func.func @body(%arg0: memref<2x5120x128xf32, #tpu.memory_space<vmem>>, %arg1: memref<128x128xf32, #tpu.memory_space<vmem>>, %arg2: memref<1x128xf32, #tpu.memory_space<vmem>>, %arg3: memref<2x5120x128xf32, #tpu.memory_space<vmem>>) attributes {dimension_semantics = [], scalar_prefetch = 0 : i64, scratch_operands = 0 : i64, tpu.core_type = #tpu.core_type<tc>} {
    %get3A = arith.constant 0 : index
    %get3A_0 = arith.constant 0 : index
    %get3A_1 = arith.constant 0 : index
    %get3A_2 = vector.load %arg0[%get3A, %get3A_0, %get3A_1] : memref<2x5120x128xf32, #tpu.memory_space<vmem>>, vector<1x5120x128xf32>
    %get3A_3 = vector.shape_cast %get3A_2 : vector<1x5120x128xf32> to vector<5120x128xf32>
    %get3A_4 = arith.constant 0 : index
    %get3A_5 = arith.constant 0 : index
    %get3A_6 = vector.load %arg1[%get3A_4, %get3A_5] : memref<128x128xf32, #tpu.memory_space<vmem>>, vector<128x128xf32>
    %dot_general3A = arith.constant dense<0.000000e+00> : vector<5120x128xf32>
    %dot_general3A_7 = tpu.matmul %get3A_3, %get3A_6, %dot_general3A {dimension_numbers = #tpu.dot_dimension_numbers<[1], [0], [0], [1], [0, 0, 1, 1], [], []>, transpose_lhs_hint = false} : vector<5120x128xf32>, vector<128x128xf32>, vector<5120x128xf32> -> vector<5120x128xf32>
    %get3A_8 = arith.constant 0 : index
    %get3A_9 = arith.constant 0 : index
    %get3A_10 = vector.load %arg2[%get3A_8, %get3A_9] : memref<1x128xf32, #tpu.memory_space<vmem>>, vector<1x128xf32>
    %add3A = vector.broadcast %get3A_10 : vector<1x128xf32> to vector<5120x128xf32>
    %add3A_11 = arith.addf %dot_general3A_7, %add3A : vector<5120x128xf32>
    %max3A = arith.constant 0.000000e+00 : f32
    %max3A_12 = vector.broadcast %max3A : f32 to vector<5120x128xf32>
    %max3A_13 = arith.maximumf %add3A_11, %max3A_12 : vector<5120x128xf32>
    %swap3A = arith.constant 0 : index
    %swap3A_14 = arith.constant 0 : index
    %swap3A_15 = arith.constant 0 : index
    %swap3A_16 = vector.load %arg3[%swap3A, %swap3A_14, %swap3A_15] : memref<2x5120x128xf32, #tpu.memory_space<vmem>>, vector<1x5120x128xf32>
    %swap3A_17 = vector.shape_cast %swap3A_16 : vector<1x5120x128xf32> to vector<5120x128xf32>
    %swap3A_18 = vector.shape_cast %max3A_13 : vector<5120x128xf32> to vector<1x5120x128xf32>
    tpu.vector_store %arg3[%swap3A, %swap3A_14, %swap3A_15], %swap3A_18 {strides = array<i32>} : memref<2x5120x128xf32, #tpu.memory_space<vmem>>, vector<1x5120x128xf32>,
    %get3A_19 = arith.constant 1 : index
    %get3A_20 = arith.constant 0 : index
    %get3A_21 = arith.constant 0 : index
    %get3A_22 = vector.load %arg0[%get3A_19, %get3A_20, %get3A_21] : memref<2x5120x128xf32, #tpu.memory_space<vmem>>, vector<1x5120x128xf32>
    %get3A_23 = vector.shape_cast %get3A_22 : vector<1x5120x128xf32> to vector<5120x128xf32>
    %get3A_24 = arith.constant 0 : index
    %get3A_25 = arith.constant 0 : index
    %get3A_26 = vector.load %arg1[%get3A_24, %get3A_25] : memref<128x128xf32, #tpu.memory_space<vmem>>, vector<128x128xf32>
    %dot_general3A_27 = arith.constant dense<0.000000e+00> : vector<5120x128xf32>
    %dot_general3A_28 = tpu.matmul %get3A_23, %get3A_26, %dot_general3A_27 {dimension_numbers = #tpu.dot_dimension_numbers<[1], [0], [0], [1], [0, 0, 1, 1], [], []>, transpose_lhs_hint = false} : vector<5120x128xf32>, vector<128x128xf32>, vector<5120x128xf32> -> vector<5120x128xf32>
    %get3A_29 = arith.constant 0 : index
    %get3A_30 = arith.constant 0 : index
    %get3A_31 = vector.load %arg2[%get3A_29, %get3A_30] : memref<1x128xf32, #tpu.memory_space<vmem>>, vector<1x128xf32>
    %add3A_32 = vector.broadcast %get3A_31 : vector<1x128xf32> to vector<5120x128xf32>
    %add3A_33 = arith.addf %dot_general3A_28, %add3A_32 : vector<5120x128xf32>
    %max3A_34 = arith.constant 0.000000e+00 : f32
    %max3A_35 = vector.broadcast %max3A_34 : f32 to vector<5120x128xf32>
    %max3A_36 = arith.maximumf %add3A_33, %max3A_35 : vector<5120x128xf32>
    %swap3A_37 = arith.constant 1 : index
    %swap3A_38 = arith.constant 0 : index
    %swap3A_39 = arith.constant 0 : index
    %swap3A_40 = vector.load %arg3[%swap3A_37, %swap3A_38, %swap3A_39] : memref<2x5120x128xf32, #tpu.memory_space<vmem>>, vector<1x5120x128xf32>
    %swap3A_41 = vector.shape_cast %swap3A_40 : vector<1x5120x128xf32> to vector<5120x128xf32>
    %swap3A_42 = vector.shape_cast %max3A_36 : vector<5120x128xf32> to vector<1x5120x128xf32>
    tpu.vector_store %arg3[%swap3A_37, %swap3A_38, %swap3A_39], %swap3A_42 {strides = array<i32>} : memref<2x5120x128xf32, #tpu.memory_space<vmem>>, vector<1x5120x128xf32>,
    return
  }
}

module attributes {stable_mosaic.version = 14 : i64} {
  func.func @body(%arg0: memref<2x5120x128xf32, #tpu.memory_space<vmem>>, %arg1: memref<128x64xf32, #tpu.memory_space<vmem>>, %arg2: memref<1x64xf32, #tpu.memory_space<vmem>>, %arg3: memref<2x5120x64xf32, #tpu.memory_space<vmem>>) attributes {dimension_semantics = [], scalar_prefetch = 0 : i64, scratch_operands = 0 : i64, tpu.core_type = #tpu.core_type<tc>} {
    %get3A = arith.constant 0 : index
    %get3A_0 = arith.constant 0 : index
    %get3A_1 = arith.constant 0 : index
    %get3A_2 = vector.load %arg0[%get3A, %get3A_0, %get3A_1] : memref<2x5120x128xf32, #tpu.memory_space<vmem>>, vector<1x5120x128xf32>
    %get3A_3 = vector.shape_cast %get3A_2 : vector<1x5120x128xf32> to vector<5120x128xf32>
    %get3A_4 = arith.constant 0 : index
    %get3A_5 = arith.constant 0 : index
    %get3A_6 = vector.load %arg1[%get3A_4, %get3A_5] : memref<128x64xf32, #tpu.memory_space<vmem>>, vector<128x64xf32>
    %dot_general3A = arith.constant dense<0.000000e+00> : vector<5120x64xf32>
    %dot_general3A_7 = tpu.matmul %get3A_3, %get3A_6, %dot_general3A {dimension_numbers = #tpu.dot_dimension_numbers<[1], [0], [0], [1], [0, 0, 1, 1], [], []>, transpose_lhs_hint = false} : vector<5120x128xf32>, vector<128x64xf32>, vector<5120x64xf32> -> vector<5120x64xf32>
    %get3A_8 = arith.constant 0 : index
    %get3A_9 = arith.constant 0 : index
    %get3A_10 = vector.load %arg2[%get3A_8, %get3A_9] : memref<1x64xf32, #tpu.memory_space<vmem>>, vector<1x64xf32>
    %add3A = vector.broadcast %get3A_10 : vector<1x64xf32> to vector<5120x64xf32>
    %add3A_11 = arith.addf %dot_general3A_7, %add3A : vector<5120x64xf32>
    %swap3A = arith.constant 0 : index
    %swap3A_12 = arith.constant 0 : index
    %swap3A_13 = arith.constant 0 : index
    %swap3A_14 = vector.load %arg3[%swap3A, %swap3A_12, %swap3A_13] : memref<2x5120x64xf32, #tpu.memory_space<vmem>>, vector<1x5120x64xf32>
    %swap3A_15 = vector.shape_cast %swap3A_14 : vector<1x5120x64xf32> to vector<5120x64xf32>
    %swap3A_16 = vector.shape_cast %add3A_11 : vector<5120x64xf32> to vector<1x5120x64xf32>
    tpu.vector_store %arg3[%swap3A, %swap3A_12, %swap3A_13], %swap3A_16 {strides = array<i32>} : memref<2x5120x64xf32, #tpu.memory_space<vmem>>, vector<1x5120x64xf32>,
    %get3A_17 = arith.constant 1 : index
    %get3A_18 = arith.constant 0 : index
    %get3A_19 = arith.constant 0 : index
    %get3A_20 = vector.load %arg0[%get3A_17, %get3A_18, %get3A_19] : memref<2x5120x128xf32, #tpu.memory_space<vmem>>, vector<1x5120x128xf32>
    %get3A_21 = vector.shape_cast %get3A_20 : vector<1x5120x128xf32> to vector<5120x128xf32>
    %get3A_22 = arith.constant 0 : index
    %get3A_23 = arith.constant 0 : index
    %get3A_24 = vector.load %arg1[%get3A_22, %get3A_23] : memref<128x64xf32, #tpu.memory_space<vmem>>, vector<128x64xf32>
    %dot_general3A_25 = arith.constant dense<0.000000e+00> : vector<5120x64xf32>
    %dot_general3A_26 = tpu.matmul %get3A_21, %get3A_24, %dot_general3A_25 {dimension_numbers = #tpu.dot_dimension_numbers<[1], [0], [0], [1], [0, 0, 1, 1], [], []>, transpose_lhs_hint = false} : vector<5120x128xf32>, vector<128x64xf32>, vector<5120x64xf32> -> vector<5120x64xf32>
    %get3A_27 = arith.constant 0 : index
    %get3A_28 = arith.constant 0 : index
    %get3A_29 = vector.load %arg2[%get3A_27, %get3A_28] : memref<1x64xf32, #tpu.memory_space<vmem>>, vector<1x64xf32>
    %add3A_30 = vector.broadcast %get3A_29 : vector<1x64xf32> to vector<5120x64xf32>
    %add3A_31 = arith.addf %dot_general3A_26, %add3A_30 : vector<5120x64xf32>
    %swap3A_32 = arith.constant 1 : index
    %swap3A_33 = arith.constant 0 : index
    %swap3A_34 = arith.constant 0 : index
    %swap3A_35 = vector.load %arg3[%swap3A_32, %swap3A_33, %swap3A_34] : memref<2x5120x64xf32, #tpu.memory_space<vmem>>, vector<1x5120x64xf32>
    %swap3A_36 = vector.shape_cast %swap3A_35 : vector<1x5120x64xf32> to vector<5120x64xf32>
    %swap3A_37 = vector.shape_cast %add3A_31 : vector<5120x64xf32> to vector<1x5120x64xf32>
    tpu.vector_store %arg3[%swap3A_32, %swap3A_33, %swap3A_34], %swap3A_37 {strides = array<i32>} : memref<2x5120x64xf32, #tpu.memory_space<vmem>>, vector<1x5120x64xf32>,
    return
  }
}

</mosaic_0001>

<sc_bundles>
// kernel: kernel.11.cloned.1.call-start
scs
__scs_entry_jumppad:
0x0: {  	(pc) =	sbr.rel $0x88, $3  }
0x1: {  	(tag) =	ssettag $0x0;
	lr =	simm.s32 $0x1  }
0x2: {  	[smem:$0x3F99] =	sst lr;
	_ =	strace $0xD0000000  }
0x3: {  	_ = 	snop  }
0x4: {  	_ = 	snop  }
0x5: {  	_ = 	snop  }
0x6: {  	_ = 	snop  }
0x7: {  	_ = 	snop  }
__scs_overlays_trampoline_lowered:
0x8: {  	[smem:$0x3FA8] =	sst s0  }
0x9: {  	[smem:$0x3FA9] =	sst s1  }
0xa: {  	[smem:$0x3FAA] =	sst s2  }
0xb: {  	[smem:$0x3FAB] =	sst s3  }
0xc: {  	[smem:$0x3FAC] =	sst s4  }
0xd: {  	[smem:$0x3FAD] =	sst s5  }
0xe: {  	[smem:$0x3FAE] =	sst s6  }
0xf: {  	[smem:$0x3FAF] =	sst s7  }
0x10: {  	[smem:$0x3FB0] =	sst s8  }
0x11: {  	[smem:$0x3FB1] =	sst s9;
	s0 =	simm.s32 @!p0 $0x0  }
0x12: {  	s1 =	sld [smem:$0x3F97];
	s0 =	simm.s32 @p0 $0x1  }
0x13: {  	[smem:$0x3FB2] =	sst s0;
	s0 =	simm.s32 @!p1 $0x0  }
0x14: {  	s2 =	sld [smem:$0x3F96];
	s0 =	simm.s32 @p1 $0x1  }
0x15: {  	[smem:$0x3FB3] =	sst s0;
	s0 =	simm.s32 @!p2 $0x0  }
0x16: {  	s3 =	sld [smem:$0x3FDB];
	s0 =	simm.s32 @p2 $0x1  }
0x17: {  	s4 =	simm.s32 $0x1BF5;
	[smem:$0x3FB5] =	sst s0  }
0x18: {  	s0 =	sld [smem:$0x3F98];
	_ =	swait.ge [sflag:s4], $0x0  }
0x19: {  	s7 =	sld [smem:$0x3F99]  }
0x1a: {  	s8 =	sadd.s32 $0xFFFFE003, lr  }
0x1b: {  	s9 =	sadd.s32 $0xFFFFFEF7, lr;
	s5 =	simm.s32 $0xFFFFFFFF;
	p2 =	slt.u32 s8, $0xFFFFF086  }
0x1c: {  	p1 =	slt.u32 s9, $0xF7A;
	s5 =	simm.s32 @!p2 $0x0  }
0x1d: {  	s5 =	simm.s32 @p1 $0x1;
	p0 =	seq.s32 s7, s2  }
0x1e: {  	s7 =	smul.u32 @!p0 $0xF7A, s2;
	p2 =	seq.s32 @!p0 s5, $0x0  }
0x1f: {  	s9 =	smul.u32 $0xF7A, s1;
	s8 =	simm.s32 @!p0 $0x1BF5;
	p2 =	por !p2, p0  }
0x20: {  	[sflag:s8] =	ssyncset.s32 @!p0 $0xFFFFF086;
	s6 =	sadd.s32 @!p0 s3, s7;
	s7 =	simm.s32 @!p0 $0x108  }
0x21: {  	s3 =	sadd.s32 s3, s9;
	s6 =	sadd.s32 @!p0 $0x88, s6;
	s7 =	simm.s32 @p2 $0x1082  }
0x22: {  	[simem:s7], [sflag:s8] =	dma.local @!p0 [hbm:s6], $0xF7A  }
0x23: {  	s9 =	sor.u32 $0xD0000000, s2;
	s6 =	simm.s32 $0x108;
	_ =	swait.ge @!p0 [sflag:s8], $0x0  }
0x24: {  	s3 =	sadd.s32 $0x88, s3;
	s6 =	simm.s32 @!p1 $0x1082;
	[sflag:s4] =	ssyncset.s32 $0xFFFFF086  }
0x25: {  	[simem:s6], [sflag:s4] =	dma.local [hbm:s3], $0xF7A  }
0x26: {  	[smem:$0x3F99] =	sst s1;
	(tag) =	ssettag s2;
	_ =	strace s9  }
0x27: {  	s1 =	sld [smem:$0x3FA9]  }
0x28: {  	s2 =	sld [smem:$0x3FAA]  }
0x29: {  	s4 =	sld [smem:$0x3FAC]  }
0x2a: {  	p0 =	seq.s32 s5, $0x0;
	s5 =	sld [smem:$0x3FAD]  }
0x2b: {  	s6 =	sld [smem:$0x3FAE]  }
0x2c: {  	s7 =	sld [smem:$0x3FAF]  }
0x2d: {  	s3 =	simm.s32 $0x108;
	s8 =	sld [smem:$0x3FB0]  }
0x2e: {  	s3 =	simm.s32 @!p0 $0x1082;
	s9 =	sld [smem:$0x3FB1]  }
0x2f: {  	lr =	sadd.s32 s0, s3;
	s0 =	sld [smem:$0x3FA8]  }
0x30: {  	s3 =	sld [smem:$0x3FAB]  }
0x31: {  	[smem:$0x3FB4] =	sst s10  }
0x32: {  	s10 =	sld [smem:$0x3FB2];
	_ =	sdelay $0x3  }
0x33: {  	p0 =	seq.s32 s10, $0x1;
	s10 =	sld [smem:$0x3FB4];
	_ =	sdelay $0x3  }
0x34: {  	[smem:$0x3FB4] =	sst s10  }
0x35: {  	s10 =	sld [smem:$0x3FB3];
	_ =	sdelay $0x3  }
0x36: {  	p1 =	seq.s32 s10, $0x1;
	s10 =	sld [smem:$0x3FB4];
	_ =	sdelay $0x3  }
0x37: {  	[smem:$0x3FB4] =	sst s10  }
0x38: {  	s10 =	sld [smem:$0x3FB5]  }
0x39: {  	_ = 	snop;
	(pc) =	sbr.ind lr, $3  }
0x3a: {  	_ = 	snop  }
0x3b: {  	_ = 	snop  }
0x3c: {  	p2 =	seq.s32 s10, $0x1;
	s10 =	sld [smem:$0x3FB4]  }
0x3d: {  	_ =	shalt  }
0x3e: {  	_ =	shalt  }
0x3f: {  	_ =	shalt  }
0x40: {  	_ =	shalt  }
0x41: {  	_ =	shalt  }
0x42: {  	_ =	shalt  }
0x43: {  	_ =	shalt  }
0x44: {  	_ =	shalt  }
0x45: {  	_ =	shalt  }
0x46: {  	_ =	shalt  }
0x47: {  	_ =	shalt  }
0x48: {  	_ =	shalt  }
0x49: {  	_ =	shalt  }
0x4a: {  	_ =	shalt  }
0x4b: {  	_ =	shalt  }
0x4c: {  	_ =	shalt  }
0x4d: {  	_ =	shalt  }
0x4e: {  	_ =	shalt  }
0x4f: {  	_ =	shalt  }
0x50: {  	_ =	shalt  }
0x51: {  	_ =	shalt  }
0x52: {  	_ =	shalt  }
0x53: {  	_ =	shalt  }
0x54: {  	_ =	shalt  }
0x55: {  	_ =	shalt  }
0x56: {  	_ =	shalt  }
0x57: {  	_ =	shalt  }
0x58: {  	_ =	shalt  }
0x59: {  	_ =	shalt  }
0x5a: {  	_ =	shalt  }
0x5b: {  	_ =	shalt  }
0x5c: {  	_ =	shalt  }
0x5d: {  	_ =	shalt  }
0x5e: {  	_ =	shalt  }
0x5f: {  	_ =	shalt  }
0x60: {  	_ =	shalt  }
0x61: {  	_ =	shalt  }
0x62: {  	_ =	shalt  }
0x63: {  	_ =	shalt  }
0x64: {  	_ =	shalt  }
0x65: {  	_ =	shalt  }
0x66: {  	_ =	shalt  }
0x67: {  	_ =	shalt  }
0x68: {  	_ =	shalt  }
0x69: {  	_ =	shalt  }
0x6a: {  	_ =	shalt  }
0x6b: {  	_ =	shalt  }
0x6c: {  	_ =	shalt  }
0x6d: {  	_ =	shalt  }
0x6e: {  	_ =	shalt  }
0x6f: {  	_ =	shalt  }
0x70: {  	_ =	shalt  }
0x71: {  	_ =	shalt  }
0x72: {  	_ =	shalt  }
0x73: {  	_ =	shalt  }
0x74: {  	_ =	shalt  }
0x75: {  	_ =	shalt  }
0x76: {  	_ =	shalt  }
0x77: {  	_ =	shalt  }
0x78: {  	_ =	shalt  }
0x79: {  	_ =	shalt  }
0x7a: {  	_ =	shalt  }
0x7b: {  	_ =	shalt  }
0x7c: {  	_ =	shalt  }
0x7d: {  	_ =	shalt  }
0x7e: {  	_ =	shalt  }
0x7f: {  	_ =	shalt  }
0x80: {  	_ =	shalt  }
0x81: {  	_ =	shalt  }
0x82: {  	_ =	shalt  }
0x83: {  	_ =	shalt  }
0x84: {  	_ =	shalt  }
0x85: {  	_ =	shalt  }
0x86: {  	_ =	shalt  }
0x87: {  	_ =	shalt  }
.Lfunc_end0:
.L_simem_size_0:
called_computation.1_lowered:
.L_overlay_start_0:
0x88: {  	s2 =	sld [smem:$0x3FD9]  }
0x89: {  	s3 =	sld [smem:$0x3FFE];
	_ =	sdelay $0x1  }
0x8a: {  	s1 =	srdreg.scid  }
0x8b: {  	s0 =	sand.u32 $0x1, s1  }
0x8c: {  	s17 =	sshll.u32 s0, $0xA;
	s2 =	sadd.s32 s3, s2  }
0x8d: {  	s2 =	sadd.s32 s2, s17  }
0x8e: {  	[smem:$0x3FC0] =	sst s2  }
0x8f: {  	_ = 	snop  }
0x90: {  	s2 =	sld [smem:$0x3FD0];
	(tm) =	ssettm $0x1  }
0x91: {  	s18 =	sld [smem:$0x3FFB];
	_ =	sdelay $0x3  }
0x92: {  	_ =	strace s18  }
0x93: {  	s3 =	sld [smem:$0x3FFC];
	_ =	sdelay $0x3  }
0x94: {  	_ =	strace s3  }
0x95: {  	s3 =	sld [smem:$0x3FFD];
	_ =	sdelay $0x3  }
0x96: {  	_ =	strace s3  }
0x97: {  	_ =	strace $0x8FFFFFFF  }
0x98: {  	s19 =	sld [smem:$0x3FDB];
	_ =	sdelay $0x1  }
0x99: {  	s4 =	simm.s32 $_scs_section_size  }
0x9a: {  	s5 =	simm.s32 $_size__tile_overlayer_lowered;
	s6 =	simm.s32 $_tile_overlayer_lowered  }
0x9b: {  	s22 =	simm.s32 $0x1BFF;
	s21 =	sshll.u32 s6, $0x1;
	s3 =	sadd.s32 s4, s19  }
0x9c: {  	s7 =	simm.s32 $0x0;
	s20 =	sshll.u32 s5, $0x1;
	s5 =	sadd.s32 s21, s3  }
0x9d: {  	[timem:s7], [sflag:s22] =	dma.local [hbm:s5], s20  }
0x9e: {  	_ =	swait.ge [sflag:s22], s20  }
0x9f: {  	s4 =	ssub.s32 $0x0, s20;
	[sflag:s22] =	ssyncset.done $0x0  }
0xa0: {  	[sflag:s22] =	ssyncadd.s32 s4;
	_ =	sdelay $0x1  }
0xa1: {  	s23 =	simm.s32 $0x1B8B  }
0xa2: {  	_ =	swait.ge [sflag:s23], $0x1  }
0xa3: {  	[sflag:s23] =	ssyncset.done $0x0  }
0xa4: {  	s25 =	simm.s32 $0x1B8E;
	s24 =	sld [smem:$0x3FFE];
	[sflag:s23] =	ssyncadd.s32 $0xFFFFFFFF  }
0xa5: {  	s26 =	simm.s32 $execute0_lowered;
	[smem:$0x3FD2] =	sst s25  }
0xa6: {  	s5 =	sshll.u32 s26, $0x1;
	_ =	strace $0x80000049;
	[dreg:$0x1] =	wrdreg $0xFFFFFFFF  }
0xa7: {  	s28 =	simm.s32 $_size_execute0_lowered;
	s3 =	sadd.s32 s3, s5;
	[dreg:$0x0] =	wrdreg $0x0  }
0xa8: {  	s5 =	sshll.u32 s28, $0x1;
	[dreg:$0x2] =	wrdreg s3  }
0xa9: {  	[dreg:$0x3] =	wrdreg s5  }
0xaa: {  	[dreg:$0x4] =	wrdreg $0xC0  }
0xab: {  	_ =	task [dreg:s7], $0x5FFFF  }
0xac: {  	[dreg:$0x1] =	wrdreg $0xFFFFFFFF  }
0xad: {  	[dreg:$0x0] =	wrdreg $0x60  }
0xae: {  	[dreg:$0x2] =	wrdreg s24  }
0xaf: {  	[dreg:$0x3] =	wrdreg s2  }
0xb0: {  	[dreg:$0x4] =	wrdreg $0x148000  }
0xb1: {  	[dreg:$0x5] =	wrdreg $0x9  }
0xb2: {  	_ =	task.clear_ibuf [dreg:s7], $0x6FFFF;
	_ =	strace $0x90000049  }
0xb3: {  	s29 =	simm.s32 $0x9;
	_ =	strace $0x8000004B  }
0xb4: {  	_ =	swait.ge [sflag:s29], $0x1  }
0xb5: {  	[sflag:s29] =	ssyncadd.s32 $0xFFFFFFFF  }
0xb6: {  	_ =	strace $0x9000004B  }
0xb7: {  	_ =	sfence  }
0xb8: {  	s30 =	sld [smem:$0x0];
	_ =	sdelay $0x2  }
0xb9: {  	s31 =	sshll.u32 s1, $0xD;
	s1 =	sshrl.u32 s1, $0x2  }
0xba: {  	s3 =	sand.u32 $0x4000, s31;
	s1 =	sadd.s32 s1, s30  }
0xbb: {  	s0 =	sor.u32 s3, s0;
	s1 =	sshll.u32 s1, $0x11  }
0xbc: {  	s0 =	sor.u32 s1, s0  }
0xbd: {  	s0 =	sadd.s32 $0x8F2B, s0  }
0xbe: {  	[sflag:s0] =	ssyncadd.remote.s32 $0x1  }
0xbf: {  	_ =	sfence.sel $0xFFFF  }
0xc0: {  	[dreg:$0x0] =	wrdreg $0xFFFFFFFF;
	(pc) =	sbr.abs _section_cstart, $3  }
0xc1: {  	[dreg:$0x1] =	wrdreg $0xFFFFFFFF  }
0xc2: {  	_ =	task.clear_ibuf [dreg:s7], $0x2FFFF;
	_ =	strace $0x9FFFFFFF  }
0xc3: {  	(tm) =	ssettm $0x7FFFFFFF  }
tec
execute0_lowered:
.L_overlay_start_1:
0x0: {  	(tag) =	ssettag $0x1  }
0x1: {  	s0 =	rddreg [dreg:$0x0]  }
0x2: {  	s2 =	rddreg [dreg:$0x1]  }
0x3: {  	s1 =	rddreg [dreg:$0x2];
	s3 =	simm.s32 $0x0;
	s11 =	stileid.u32  }
0x4: {  	s4 =	srdreg.scid;
	s22 =	simm.s32 $0x12800;
	s23 =	simm.s32 $0x2  }
0x5: {  	s25 =	simm.s32 $0x50;
	s28 =	simm.s32 $0x1;
	s29 =	simm.s32 $0x0  }
0x6: {  	[smem:$0x7FF] =	sst s3;
	s6 =	sshll.u32 s11, $0xC;
	s5 =	smul.u32 $0x28000, s11  }
0x7: {  	s8 =	sand.u32 $0x1, s4;
	s4 =	sadd.s32 $0x11A00, s0;
	s31 =	smul.u32 $0xA000, s11  }
0x8: {  	_ =	strace $0x8000004A;
	s7 =	sadd.s32 s6, s0;
	s9 =	ssub.s32 $0x2, s8  }
0x9: {  	s0 =	sadd.s32 $0x39A00, s0;
	s18 =	smul.u32 $0xA0000, s8;
	s2 =	sadd.s32 s2, s6  }
0xa: {  	s26 =	smul.u32 $0xFFFFEC00, s8;
	s10 =	sshrl.u32 s9, $0x1;
	s5 =	sshrl.u32 s5, $0x2  }
0xb: {  	[dreg:$0x4] =	wrdreg s2;
	s7 =	sadd.s32 $0x1A00, s7;
	s14 =	sadd.s32 $0x2000, s31  }
0xc: {  	s17 =	sadd.s32 $0x4000, s31;
	s19 =	sadd.s32 $0x6000, s31;
	s2 =	sadd.s32 $0x8000, s31  }
0xd: {  	s9 =	ssub.s32 s9, s10;
	s5 =	sadd.s32 s5, s1;
	s12 =	sadd.s32 s18, s31  }
0xe: {  	s15 =	sadd.s32 s18, s14;
	s14 =	sadd.s32 s14, s1;
	s16 =	sadd.s32 s17, s1  }
0xf: {  	s17 =	sadd.s32 s18, s17;
	s20 =	sadd.s32 s18, s19;
	s21 =	sadd.s32 s18, s2  }
0x10: {  	s18 =	sadd.s32 s19, s1;
	v0 =	vmov s26;
	s26 =	simm.s32 $0x10000;
	s8 =	smax.u32 s9, $0x1  }
0x11: {  	s9 =	sadd.s32 $0x2000, s5;
	s10 =	sadd.s32 $0x4000, s5;
	s11 =	sadd.s32 $0x6000, s5  }
0x12: {  	s13 =	sshrl.u32 s12, $0x3;
	s12 =	sadd.s32 $0x8000, s5;
	s15 =	sshrl.u32 s15, $0x3  }
0x13: {  	s17 =	sshrl.u32 s17, $0x3;
	s20 =	sshrl.u32 s20, $0x3;
	s21 =	sshrl.u32 s21, $0x3  }
0x14: {  	s13 =	sadd.s32 s0, s13;
	s15 =	sadd.s32 s0, s15;
	s17 =	sadd.s32 s0, s17  }
0x15: {  	v1 =	vimm.f32 $0.0e+00;
	s19 =	sadd.s32 s0, s20;
	s20 =	sadd.s32 s2, s1;
	s21 =	sadd.s32 s0, s21  }
.LBB2_1:
0x16: {  	s0 =	sand.u32 $0x7E00, s3  }
0x17: {  	s2 =	sand.u32 $0x70, s3;
	s30 =	sshrl.u32 s0, $0x2  }
0x18: {  	s0 =	simm.s32 $0x40;
	s2 =	sor.u32 s2, s30;
	s30 =	simm.s32 $0x0  }
.LBB2_2:
0x19: {  	p0 =	sne.s32 s0, $0x7FC0  }
0x1a: {  	[tilespmem:s2+$0x12800] =	vst v1;
	s30 =	sadd.s32 $0x10, s30;
	s2 =	smov.u32 s0;
	s0 =	sadd.s32 $0x40, s0  }
.Ltmp0:
0x1b: {  	(pc) =	sbr.rel @p0 .LBB2_2-.Ltmp0, $4  }
0x1c: {  	_ = 	snop  }
0x1d: {  	s2 =	sand.u32 $0x7E00, s2  }
0x1e: {  	s31 =	sand.u32 $0x70, s30;
	s2 =	sshrl.u32 s2, $0x2  }
0x1f: {  	s2 =	sor.u32 s31, s2  }
0x20: {  	[tilespmem:s2+$0x12800] =	vst v1  }
0x21: {  	[spmem:s5] =	stream.linear.scatter [tilespmem:s22], [sflag:$0x2], $0x2000, $0x38;
	[tilespmem:$0x1E840] =	vst v63  }
0x22: {  	_ =	swait.ge [sflag:s23], $0x2000  }
0x23: {  	[sflag:s23] =	ssyncset.done $0x0  }
0x24: {  	[sflag:s23] =	ssyncadd.s32 $0xFFFFE000  }
0x25: {  	[spmem:s9] =	stream.linear.scatter [tilespmem:s22], [sflag:$0x2], $0x2000, $0x38;
	[tilespmem:$0x1E840] =	vst v63  }
0x26: {  	_ =	swait.ge [sflag:s23], $0x2000  }
0x27: {  	[sflag:s23] =	ssyncset.done $0x0  }
0x28: {  	[sflag:s23] =	ssyncadd.s32 $0xFFFFE000  }
0x29: {  	[spmem:s10] =	stream.linear.scatter [tilespmem:s22], [sflag:$0x2], $0x2000, $0x38;
	[tilespmem:$0x1E840] =	vst v63  }
0x2a: {  	_ =	swait.ge [sflag:s23], $0x2000  }
0x2b: {  	[sflag:s23] =	ssyncset.done $0x0  }
0x2c: {  	[sflag:s23] =	ssyncadd.s32 $0xFFFFE000  }
0x2d: {  	[spmem:s11] =	stream.linear.scatter [tilespmem:s22], [sflag:$0x2], $0x2000, $0x38;
	[tilespmem:$0x1E840] =	vst v63  }
0x2e: {  	_ =	swait.ge [sflag:s23], $0x2000  }
0x2f: {  	[sflag:s23] =	ssyncset.done $0x0  }
0x30: {  	[sflag:s23] =	ssyncadd.s32 $0xFFFFE000  }
0x31: {  	[spmem:s12] =	stream.linear.scatter [tilespmem:s22], [sflag:$0x2], $0x2000, $0x38;
	[tilespmem:$0x1E840] =	vst v63  }
0x32: {  	_ =	swait.ge [sflag:s23], $0x2000  }
0x33: {  	s0 =	simm.s32 $0x0;
	[sflag:s23] =	ssyncset.done $0x0  }
0x34: {  	s24 =	smul.u32 $0xCCCD, s0;
	[sflag:s23] =	ssyncadd.s32 $0xFFFFE000  }
0x35: {  	[bflag:$0x0] =	sbarrier.arrive $0xFFFF  }
0x36: {  	s24 =	sshrl.u32 s24, $0x12;
	s6 =	rddreg [dreg:$0x4]  }
0x37: {  	[tilespmem:s0], [sflag:$0x2] =	stream.linear.gather [hbm4b:s6+s0], $0x7D00, $0x38;
	[tilespmem:$0x1E840] =	vst v63  }
0x38: {  	s2 =	smul.u32 $0x5, s24;
	_ =	swait.ge [sflag:s23], $0x7D00  }
0x39: {  	s31 =	simm.s32 $0x1;
	[sflag:s23] =	ssyncset.done $0x0  }
0x3a: {  	s2 =	ssub.s32 $0x0, s2;
	s6 =	simm.s32 $0x8000;
	[sflag:s23] =	ssyncadd.s32 $0xFFFF8300  }
0x3b: {  	[tilespmem:s6], [sflag:$0x2] =	stream.linear.gather [hbm4b:s7+s0], $0x7D00, $0x38;
	[tilespmem:$0x1E840] =	vst v63  }
0x3c: {  	s30 =	sshll.u32 s24, $0x7;
	s2 =	sand.u32 $0xFFFF, s2;
	_ =	swait.ge [sflag:s23], $0x7D00  }
0x3d: {  	s24 =	sshll.u32 s2, $0x4;
	s2 =	smul.u32 $0xCCCD, s31;
	[sflag:s23] =	ssyncset.done $0x0  }
0x3e: {  	s30 =	sor.u32 s24, s30;
	s0 =	simm.s32 $0x2;
	[sflag:s23] =	ssyncadd.s32 $0xFFFF8300  }
.LBB2_4:
0x3f: {  	p0 =	sne.s32 s0, $0x4E1;
	v2 =	vld [tilespmem:s30+$0x8000]  }
0x40: {  	s2 =	sshrl.u32 s2, $0x12  }
0x41: {  	s24 =	smul.u32 $0x5, s2  }
.Ltmp1:
0x42: {  	(pc) =	sbr.rel @p0 .LBB2_4-.Ltmp1, $4  }
0x43: {  	s24 =	ssub.s32 s31, s24;
	s31 =	smov.u32 s0  }
0x44: {  	s24 =	sand.u32 $0xFFFF, s24;
	v2 =	vadd.s32 v0, v2  }
0x45: {  	s6 =	sshll.u32 s2, $0x7;
	s24 =	sshll.u32 s24, $0x4;
	v2 =	vmin.u32 v2, $0x1400  }
0x46: {  	s0 =	sadd.s32 $0x1, s0;
	s2 =	smul.u32 $0xCCCD, s31;
	[tilespmem:s30+$0x8000] =	vst v2;
	s30 =	sor.u32 s24, s6  }
0x47: {  	v2 =	vld [tilespmem:s30+$0x8000]  }
0x48: {  	s0 =	sshrl.u32 s2, $0x12  }
0x49: {  	s2 =	smul.u32 $0x5, s0;
	_ =	sdelay $0x1  }
0x4a: {  	s2 =	ssub.s32 s31, s2  }
0x4b: {  	s2 =	sand.u32 $0xFFFF, s2;
	v2 =	vadd.s32 v0, v2  }
0x4c: {  	s0 =	sshll.u32 s0, $0x7;
	s2 =	sshll.u32 s2, $0x4;
	v2 =	vmin.u32 v2, $0x1400  }
0x4d: {  	s0 =	sor.u32 s2, s0;
	[tilespmem:s30+$0x8000] =	vst v2  }
0x4e: {  	v2 =	vld [tilespmem:s0+$0x8000];
	_ =	sdelay $0x4  }
0x4f: {  	v2 =	vadd.s32 v0, v2  }
0x50: {  	v2 =	vmin.u32 v2, $0x1400  }
0x51: {  	s30 =	simm.s32 $0x0;
	[tilespmem:s0+$0x8000] =	vst v2  }
0x52: {  	[tilespmem:s26], [sflag:$0x1] =	stream.indirect.gather [hbm4b:s4+s25], $0x80, s30, s25, $0xb8;
	[tilespmem:$0x1E840] =	vst v63  }
0x53: {  	_ =	swait.ge [sflag:s28], $0x2800  }
0x54: {  	[sflag:s28] =	ssyncset.done $0x0  }
0x55: {  	s31 =	simm.s32 $0x8000;
	[sflag:s28] =	ssyncadd.s32 $0xFFFFD800  }
0x56: {  	[spmem:s1] =	stream.indirect.scatter.add.f32 [tilespmem:s26], [sflag:$0x2], $0x80, s31, s25, $0xb8;
	[tilespmem:$0x1E840] =	vst v63  }
0x57: {  	_ =	swait.ge [sflag:s23], $0x2800  }
0x58: {  	s2 =	simm.s32 $0x400;
	s0 =	simm.s32 $0x200;
	[sflag:s23] =	ssyncset.done $0x0  }
.LBB2_6:
0x59: {  	s6 =	sshra.s32 s0, $0x2  }
0x5a: {  	[sflag:s23] =	ssyncadd.s32 $0xFFFFD800;
	s0 =	smov.u32 s2;
	s24 =	sadd.s32 $0x200, s2  }
0x5b: {  	[tilespmem:s26], [sflag:$0x1] =	stream.indirect.gather [hbm4b:s4+s25], $0x80, s6, s25, $0xb8;
	[tilespmem:$0x1E840] =	vst v63  }
0x5c: {  	p0 =	sne.s32 s2, $0x1F200;
	_ =	swait.ge [sflag:s28], $0x2800  }
.Ltmp2:
0x5d: {  	[sflag:s28] =	ssyncset.done $0x0;
	(pc) =	sbr.rel @p0 .LBB2_6-.Ltmp2, $4  }
0x5e: {  	s2 =	sadd.s32 $0x8000, s6;
	[sflag:s28] =	ssyncadd.s32 $0xFFFFD800  }
0x5f: {  	[spmem:s1] =	stream.indirect.scatter.add.f32 [tilespmem:s26], [sflag:$0x2], $0x80, s2, s25, $0xb8;
	[tilespmem:$0x1E840] =	vst v63  }
0x60: {  	_ =	swait.ge [sflag:s23], $0x2800  }
0x61: {  	s2 =	smov.u32 s24;
	[sflag:s23] =	ssyncset.done $0x0  }
0x62: {  	s0 =	sshra.s32 s0, $0x2;
	[sflag:s23] =	ssyncadd.s32 $0xFFFFD800  }
0x63: {  	[tilespmem:s26], [sflag:$0x1] =	stream.indirect.gather [hbm4b:s4+s25], $0x80, s0, s25, $0xb8;
	[tilespmem:$0x1E840] =	vst v63  }
0x64: {  	_ =	swait.ge [sflag:s28], $0x2800  }
0x65: {  	[sflag:s28] =	ssyncset.done $0x0  }
0x66: {  	s0 =	sadd.s32 $0x8000, s0;
	[sflag:s28] =	ssyncadd.s32 $0xFFFFD800  }
0x67: {  	[spmem:s1] =	stream.indirect.scatter.add.f32 [tilespmem:s26], [sflag:$0x2], $0x80, s0, s25, $0xb8;
	[tilespmem:$0x1E840] =	vst v63  }
0x68: {  	_ =	swait.ge [sflag:s23], $0x2800  }
0x69: {  	[sflag:s23] =	ssyncset.done $0x0  }
0x6a: {  	[sflag:s23] =	ssyncadd.s32 $0xFFFFD800  }
0x6b: {  	[bflag:$0x0] =	sbarrier.arrive $0xFFFF  }
0x6c: {  	[tilespmem:s22], [sflag:$0x2] =	stream.linear.gather [spmem:s5], $0x2000, $0x38;
	[tilespmem:$0x1E840] =	vst v63  }
0x6d: {  	_ =	swait.ge [sflag:s23], $0x2000  }
0x6e: {  	[sflag:s23] =	ssyncset.done $0x0  }
0x6f: {  	[sflag:s23] =	ssyncadd.s32 $0xFFFFE000  }
0x70: {  	[hbm4b:s13+s3] =	stream.linear.scatter [tilespmem:s22], [sflag:$0x2], $0x2000, $0x38;
	[tilespmem:$0x1E840] =	vst v63  }
0x71: {  	_ =	swait.ge [sflag:s23], $0x2000  }
0x72: {  	[sflag:s23] =	ssyncset.done $0x0  }
0x73: {  	[sflag:s23] =	ssyncadd.s32 $0xFFFFE000  }
0x74: {  	[tilespmem:s22], [sflag:$0x2] =	stream.linear.gather [spmem:s14], $0x2000, $0x38;
	[tilespmem:$0x1E840] =	vst v63  }
0x75: {  	_ =	swait.ge [sflag:s23], $0x2000  }
0x76: {  	[sflag:s23] =	ssyncset.done $0x0  }
0x77: {  	[sflag:s23] =	ssyncadd.s32 $0xFFFFE000  }
0x78: {  	[hbm4b:s15+s3] =	stream.linear.scatter [tilespmem:s22], [sflag:$0x2], $0x2000, $0x38;
	[tilespmem:$0x1E840] =	vst v63  }
0x79: {  	_ =	swait.ge [sflag:s23], $0x2000  }
0x7a: {  	[sflag:s23] =	ssyncset.done $0x0  }
0x7b: {  	[sflag:s23] =	ssyncadd.s32 $0xFFFFE000  }
0x7c: {  	[tilespmem:s22], [sflag:$0x2] =	stream.linear.gather [spmem:s16], $0x2000, $0x38;
	[tilespmem:$0x1E840] =	vst v63  }
0x7d: {  	_ =	swait.ge [sflag:s23], $0x2000  }
0x7e: {  	[sflag:s23] =	ssyncset.done $0x0  }
0x7f: {  	[sflag:s23] =	ssyncadd.s32 $0xFFFFE000  }
0x80: {  	[hbm4b:s17+s3] =	stream.linear.scatter [tilespmem:s22], [sflag:$0x2], $0x2000, $0x38;
	[tilespmem:$0x1E840] =	vst v63  }
0x81: {  	_ =	swait.ge [sflag:s23], $0x2000  }
0x82: {  	[sflag:s23] =	ssyncset.done $0x0  }
0x83: {  	[sflag:s23] =	ssyncadd.s32 $0xFFFFE000  }
0x84: {  	[tilespmem:s22], [sflag:$0x2] =	stream.linear.gather [spmem:s18], $0x2000, $0x38;
	[tilespmem:$0x1E840] =	vst v63  }
0x85: {  	_ =	swait.ge [sflag:s23], $0x2000  }
0x86: {  	[sflag:s23] =	ssyncset.done $0x0  }
0x87: {  	[sflag:s23] =	ssyncadd.s32 $0xFFFFE000  }
0x88: {  	[hbm4b:s19+s3] =	stream.linear.scatter [tilespmem:s22], [sflag:$0x2], $0x2000, $0x38;
	[tilespmem:$0x1E840] =	vst v63  }
0x89: {  	_ =	swait.ge [sflag:s23], $0x2000  }
0x8a: {  	[sflag:s23] =	ssyncset.done $0x0  }
0x8b: {  	[sflag:s23] =	ssyncadd.s32 $0xFFFFE000  }
0x8c: {  	[tilespmem:s22], [sflag:$0x2] =	stream.linear.gather [spmem:s20], $0x2000, $0x38;
	[tilespmem:$0x1E840] =	vst v63  }
0x8d: {  	s29 =	sadd.s32 $0x1, s29;
	_ =	swait.ge [sflag:s23], $0x2000  }
0x8e: {  	p0 =	sne.s32 s29, s8;
	[sflag:s23] =	ssyncset.done $0x0  }
.Ltmp3:
0x8f: {  	[sflag:s23] =	ssyncadd.s32 $0xFFFFE000;
	(pc) =	sbr.rel @p0 .LBB2_1-.Ltmp3, $4  }
0x90: {  	[hbm4b:s21+s3] =	stream.linear.scatter [tilespmem:s22], [sflag:$0x2], $0x2000, $0x38;
	[tilespmem:$0x1E840] =	vst v63  }
0x91: {  	_ =	swait.ge [sflag:s23], $0x2000  }
0x92: {  	[sflag:s23] =	ssyncset.done $0x0  }
0x93: {  	[sflag:s23] =	ssyncadd.s32 $0xFFFFE000  }
0x94: {  	_ =	sfence.sel $0x180000  }
0x95: {  	[bflag:$0x0] =	sbarrier.arrive $0xFFFF  }
0x96: {  	_ =	strace $0x9000004A  }
0x97: {  	s0 =	stileid.u32;
	[bflag:$0x2] =	sbarrier.arrive $0xFFFF  }
0x98: {  	p0 =	sne.s32 s0, $0x0;
	s0 =	rddreg [dreg:$0x3]  }
0x99: {  	s0 =	sadd.s32 @!p0 $0x100000, s0  }
0x9a: {  	[sflag:s0] =	ssyncadd.tile.s32 @!p0 $0x1;
	_ =	shalt  }
.Lfunc_end2:
_tile_overlayer_lowered:
.L_overlay_start_2:
0x9b: {  	(tag) =	ssettag $0x2  }
0x9c: {  	s0 =	rddreg [dreg:$0x0];
	s2 =	stileid.u32  }
0x9d: {  	s1 =	rddreg [dreg:$0x1];
	p0 =	sne.s32 s2, $0x0  }
0x9e: {  	s3 =	rddreg [dreg:$0x2];
	[bflag:$0x3] =	sbarrier.arrive $0xFFFF;
	s2 =	simm.s32 @!p0 $0x1C02  }
0x9f: {  	[timem:s3], [sflag:s2] =	dma.local @!p0 [hbm:s0], s1  }
0xa0: {  	s0 =	simm.s32 @!p0 $0x2  }
0xa1: {  	_ =	swait.ge @!p0 [sflag:s0], s1  }
0xa2: {  	s1 =	ssub.s32 @!p0 $0x0, s1;
	[sflag:s0] =	ssyncset.done @!p0 $0x0  }
0xa3: {  	[sflag:s0] =	ssyncadd.s32 @!p0 s1  }
0xa4: {  	[bflag:$0x3] =	sbarrier.arrive $0xFFFF  }
0xa5: {  	_ =	shalt  }

// kernel: kernel.14.cloned.1.call-start
scs
__scs_entry_jumppad:
0x0: {  	(pc) =	sbr.rel $0x88, $3  }
0x1: {  	(tag) =	ssettag $0x0;
	lr =	simm.s32 $0x1  }
0x2: {  	[smem:$0x3F99] =	sst lr;
	_ =	strace $0xD0000000  }
0x3: {  	_ = 	snop  }
0x4: {  	_ = 	snop  }
0x5: {  	_ = 	snop  }
0x6: {  	_ = 	snop  }
0x7: {  	_ = 	snop  }
__scs_overlays_trampoline_lowered:
0x8: {  	[smem:$0x3FA8] =	sst s0  }
0x9: {  	[smem:$0x3FA9] =	sst s1  }
0xa: {  	[smem:$0x3FAA] =	sst s2  }
0xb: {  	[smem:$0x3FAB] =	sst s3  }
0xc: {  	[smem:$0x3FAC] =	sst s4  }
0xd: {  	[smem:$0x3FAD] =	sst s5  }
0xe: {  	[smem:$0x3FAE] =	sst s6  }
0xf: {  	[smem:$0x3FAF] =	sst s7  }
0x10: {  	[smem:$0x3FB0] =	sst s8  }
0x11: {  	[smem:$0x3FB1] =	sst s9;
	s0 =	simm.s32 @!p0 $0x0  }
0x12: {  	s1 =	sld [smem:$0x3F97];
	s0 =	simm.s32 @p0 $0x1  }
0x13: {  	[smem:$0x3FB2] =	sst s0;
	s0 =	simm.s32 @!p1 $0x0  }
0x14: {  	s2 =	sld [smem:$0x3F96];
	s0 =	simm.s32 @p1 $0x1  }
0x15: {  	[smem:$0x3FB3] =	sst s0;
	s0 =	simm.s32 @!p2 $0x0  }
0x16: {  	s3 =	sld [smem:$0x3FDB];
	s0 =	simm.s32 @p2 $0x1  }
0x17: {  	s4 =	simm.s32 $0x1BF5;
	[smem:$0x3FB5] =	sst s0  }
0x18: {  	s0 =	sld [smem:$0x3F98];
	_ =	swait.ge [sflag:s4], $0x0  }
0x19: {  	s7 =	sld [smem:$0x3F99]  }
0x1a: {  	s8 =	sadd.s32 $0xFFFFE003, lr  }
0x1b: {  	s9 =	sadd.s32 $0xFFFFFEF7, lr;
	s5 =	simm.s32 $0xFFFFFFFF;
	p2 =	slt.u32 s8, $0xFFFFF086  }
0x1c: {  	p1 =	slt.u32 s9, $0xF7A;
	s5 =	simm.s32 @!p2 $0x0  }
0x1d: {  	s5 =	simm.s32 @p1 $0x1;
	p0 =	seq.s32 s7, s2  }
0x1e: {  	s7 =	smul.u32 @!p0 $0xF7A, s2;
	p2 =	seq.s32 @!p0 s5, $0x0  }
0x1f: {  	s9 =	smul.u32 $0xF7A, s1;
	s8 =	simm.s32 @!p0 $0x1BF5;
	p2 =	por !p2, p0  }
0x20: {  	[sflag:s8] =	ssyncset.s32 @!p0 $0xFFFFF086;
	s6 =	sadd.s32 @!p0 s3, s7;
	s7 =	simm.s32 @!p0 $0x108  }
0x21: {  	s3 =	sadd.s32 s3, s9;
	s6 =	sadd.s32 @!p0 $0x88, s6;
	s7 =	simm.s32 @p2 $0x1082  }
0x22: {  	[simem:s7], [sflag:s8] =	dma.local @!p0 [hbm:s6], $0xF7A  }
0x23: {  	s9 =	sor.u32 $0xD0000000, s2;
	s6 =	simm.s32 $0x108;
	_ =	swait.ge @!p0 [sflag:s8], $0x0  }
0x24: {  	s3 =	sadd.s32 $0x88, s3;
	s6 =	simm.s32 @!p1 $0x1082;
	[sflag:s4] =	ssyncset.s32 $0xFFFFF086  }
0x25: {  	[simem:s6], [sflag:s4] =	dma.local [hbm:s3], $0xF7A  }
0x26: {  	[smem:$0x3F99] =	sst s1;
	(tag) =	ssettag s2;
	_ =	strace s9  }
0x27: {  	s1 =	sld [smem:$0x3FA9]  }
0x28: {  	s2 =	sld [smem:$0x3FAA]  }
0x29: {  	s4 =	sld [smem:$0x3FAC]  }
0x2a: {  	p0 =	seq.s32 s5, $0x0;
	s5 =	sld [smem:$0x3FAD]  }
0x2b: {  	s6 =	sld [smem:$0x3FAE]  }
0x2c: {  	s7 =	sld [smem:$0x3FAF]  }
0x2d: {  	s3 =	simm.s32 $0x108;
	s8 =	sld [smem:$0x3FB0]  }
0x2e: {  	s3 =	simm.s32 @!p0 $0x1082;
	s9 =	sld [smem:$0x3FB1]  }
0x2f: {  	lr =	sadd.s32 s0, s3;
	s0 =	sld [smem:$0x3FA8]  }
0x30: {  	s3 =	sld [smem:$0x3FAB]  }
0x31: {  	[smem:$0x3FB4] =	sst s10  }
0x32: {  	s10 =	sld [smem:$0x3FB2];
	_ =	sdelay $0x3  }
0x33: {  	p0 =	seq.s32 s10, $0x1;
	s10 =	sld [smem:$0x3FB4];
	_ =	sdelay $0x3  }
0x34: {  	[smem:$0x3FB4] =	sst s10  }
0x35: {  	s10 =	sld [smem:$0x3FB3];
	_ =	sdelay $0x3  }
0x36: {  	p1 =	seq.s32 s10, $0x1;
	s10 =	sld [smem:$0x3FB4];
	_ =	sdelay $0x3  }
0x37: {  	[smem:$0x3FB4] =	sst s10  }
0x38: {  	s10 =	sld [smem:$0x3FB5]  }
0x39: {  	_ = 	snop;
	(pc) =	sbr.ind lr, $3  }
0x3a: {  	_ = 	snop  }
0x3b: {  	_ = 	snop  }
0x3c: {  	p2 =	seq.s32 s10, $0x1;
	s10 =	sld [smem:$0x3FB4]  }
0x3d: {  	_ =	shalt  }
0x3e: {  	_ =	shalt  }
0x3f: {  	_ =	shalt  }
0x40: {  	_ =	shalt  }
0x41: {  	_ =	shalt  }
0x42: {  	_ =	shalt  }
0x43: {  	_ =	shalt  }
0x44: {  	_ =	shalt  }
0x45: {  	_ =	shalt  }
0x46: {  	_ =	shalt  }
0x47: {  	_ =	shalt  }
0x48: {  	_ =	shalt  }
0x49: {  	_ =	shalt  }
0x4a: {  	_ =	shalt  }
0x4b: {  	_ =	shalt  }
0x4c: {  	_ =	shalt  }
0x4d: {  	_ =	shalt  }
0x4e: {  	_ =	shalt  }
0x4f: {  	_ =	shalt  }
0x50: {  	_ =	shalt  }
0x51: {  	_ =	shalt  }
0x52: {  	_ =	shalt  }
0x53: {  	_ =	shalt  }
0x54: {  	_ =	shalt  }
0x55: {  	_ =	shalt  }
0x56: {  	_ =	shalt  }
0x57: {  	_ =	shalt  }
0x58: {  	_ =	shalt  }
0x59: {  	_ =	shalt  }
0x5a: {  	_ =	shalt  }
0x5b: {  	_ =	shalt  }
0x5c: {  	_ =	shalt  }
0x5d: {  	_ =	shalt  }
0x5e: {  	_ =	shalt  }
0x5f: {  	_ =	shalt  }
0x60: {  	_ =	shalt  }
0x61: {  	_ =	shalt  }
0x62: {  	_ =	shalt  }
0x63: {  	_ =	shalt  }
0x64: {  	_ =	shalt  }
0x65: {  	_ =	shalt  }
0x66: {  	_ =	shalt  }
0x67: {  	_ =	shalt  }
0x68: {  	_ =	shalt  }
0x69: {  	_ =	shalt  }
0x6a: {  	_ =	shalt  }
0x6b: {  	_ =	shalt  }
0x6c: {  	_ =	shalt  }
0x6d: {  	_ =	shalt  }
0x6e: {  	_ =	shalt  }
0x6f: {  	_ =	shalt  }
0x70: {  	_ =	shalt  }
0x71: {  	_ =	shalt  }
0x72: {  	_ =	shalt  }
0x73: {  	_ =	shalt  }
0x74: {  	_ =	shalt  }
0x75: {  	_ =	shalt  }
0x76: {  	_ =	shalt  }
0x77: {  	_ =	shalt  }
0x78: {  	_ =	shalt  }
0x79: {  	_ =	shalt  }
0x7a: {  	_ =	shalt  }
0x7b: {  	_ =	shalt  }
0x7c: {  	_ =	shalt  }
0x7d: {  	_ =	shalt  }
0x7e: {  	_ =	shalt  }
0x7f: {  	_ =	shalt  }
0x80: {  	_ =	shalt  }
0x81: {  	_ =	shalt  }
0x82: {  	_ =	shalt  }
0x83: {  	_ =	shalt  }
0x84: {  	_ =	shalt  }
0x85: {  	_ =	shalt  }
0x86: {  	_ =	shalt  }
0x87: {  	_ =	shalt  }
.Lfunc_end0:
.L_simem_size_0:
called_computation.2_lowered:
.L_overlay_start_0:
0x88: {  	s2 =	sld [smem:$0x3FD9]  }
0x89: {  	s3 =	sld [smem:$0x3FFE];
	_ =	sdelay $0x1  }
0x8a: {  	s1 =	srdreg.scid  }
0x8b: {  	s0 =	sand.u32 $0x1, s1  }
0x8c: {  	s17 =	sshll.u32 s0, $0xA;
	s2 =	sadd.s32 s3, s2  }
0x8d: {  	s2 =	sadd.s32 s2, s17  }
0x8e: {  	[smem:$0x3FC0] =	sst s2  }
0x8f: {  	_ = 	snop  }
0x90: {  	s2 =	sld [smem:$0x3FD0];
	(tm) =	ssettm $0x1  }
0x91: {  	s18 =	sld [smem:$0x3FFB];
	_ =	sdelay $0x3  }
0x92: {  	_ =	strace s18  }
0x93: {  	s3 =	sld [smem:$0x3FFC];
	_ =	sdelay $0x3  }
0x94: {  	_ =	strace s3  }
0x95: {  	s3 =	sld [smem:$0x3FFD];
	_ =	sdelay $0x3  }
0x96: {  	_ =	strace s3  }
0x97: {  	_ =	strace $0x8FFFFFFF  }
0x98: {  	s19 =	sld [smem:$0x3FDB];
	_ =	sdelay $0x1  }
0x99: {  	s4 =	simm.s32 $_scs_section_size  }
0x9a: {  	s5 =	simm.s32 $_size__tile_overlayer_lowered;
	s6 =	simm.s32 $_tile_overlayer_lowered  }
0x9b: {  	s22 =	simm.s32 $0x1BFF;
	s21 =	sshll.u32 s6, $0x1;
	s3 =	sadd.s32 s4, s19  }
0x9c: {  	s7 =	simm.s32 $0x0;
	s20 =	sshll.u32 s5, $0x1;
	s5 =	sadd.s32 s21, s3  }
0x9d: {  	[timem:s7], [sflag:s22] =	dma.local [hbm:s5], s20  }
0x9e: {  	_ =	swait.ge [sflag:s22], s20  }
0x9f: {  	s4 =	ssub.s32 $0x0, s20;
	[sflag:s22] =	ssyncset.done $0x0  }
0xa0: {  	[sflag:s22] =	ssyncadd.s32 s4;
	_ =	sdelay $0x1  }
0xa1: {  	s23 =	simm.s32 $0x1B8B  }
0xa2: {  	_ =	swait.ge [sflag:s23], $0x1  }
0xa3: {  	[sflag:s23] =	ssyncset.done $0x0  }
0xa4: {  	s25 =	simm.s32 $0x1B8E;
	s24 =	sld [smem:$0x3FFE];
	[sflag:s23] =	ssyncadd.s32 $0xFFFFFFFF  }
0xa5: {  	s26 =	simm.s32 $execute0_lowered;
	[smem:$0x3FD2] =	sst s25  }
0xa6: {  	s5 =	sshll.u32 s26, $0x1;
	_ =	strace $0x8000004C;
	[dreg:$0x1] =	wrdreg $0xFFFFFFFF  }
0xa7: {  	s28 =	simm.s32 $_size_execute0_lowered;
	s3 =	sadd.s32 s3, s5;
	[dreg:$0x0] =	wrdreg $0x0  }
0xa8: {  	s5 =	sshll.u32 s28, $0x1;
	[dreg:$0x2] =	wrdreg s3  }
0xa9: {  	[dreg:$0x3] =	wrdreg s5  }
0xaa: {  	[dreg:$0x4] =	wrdreg $0xC0  }
0xab: {  	_ =	task [dreg:s7], $0x5FFFF  }
0xac: {  	[dreg:$0x1] =	wrdreg $0xFFFFFFFF  }
0xad: {  	[dreg:$0x0] =	wrdreg $0x60  }
0xae: {  	[dreg:$0x2] =	wrdreg s24  }
0xaf: {  	[dreg:$0x3] =	wrdreg s2  }
0xb0: {  	[dreg:$0x4] =	wrdreg $0x148000  }
0xb1: {  	[dreg:$0x5] =	wrdreg $0x9  }
0xb2: {  	_ =	task.clear_ibuf [dreg:s7], $0x6FFFF;
	_ =	strace $0x9000004C  }
0xb3: {  	s29 =	simm.s32 $0x9;
	_ =	strace $0x8000004E  }
0xb4: {  	_ =	swait.ge [sflag:s29], $0x1  }
0xb5: {  	[sflag:s29] =	ssyncadd.s32 $0xFFFFFFFF  }
0xb6: {  	_ =	strace $0x9000004E  }
0xb7: {  	_ =	sfence  }
0xb8: {  	s30 =	sld [smem:$0x0];
	_ =	sdelay $0x2  }
0xb9: {  	s31 =	sshll.u32 s1, $0xD;
	s1 =	sshrl.u32 s1, $0x2  }
0xba: {  	s3 =	sand.u32 $0x4000, s31;
	s1 =	sadd.s32 s1, s30  }
0xbb: {  	s0 =	sor.u32 s3, s0;
	s1 =	sshll.u32 s1, $0x11  }
0xbc: {  	s0 =	sor.u32 s1, s0  }
0xbd: {  	s0 =	sadd.s32 $0x8F2B, s0  }
0xbe: {  	[sflag:s0] =	ssyncadd.remote.s32 $0x1  }
0xbf: {  	_ =	sfence.sel $0xFFFF  }
0xc0: {  	[dreg:$0x0] =	wrdreg $0xFFFFFFFF;
	(pc) =	sbr.abs _section_cstart, $3  }
0xc1: {  	[dreg:$0x1] =	wrdreg $0xFFFFFFFF  }
0xc2: {  	_ =	task.clear_ibuf [dreg:s7], $0x2FFFF;
	_ =	strace $0x9FFFFFFF  }
0xc3: {  	(tm) =	ssettm $0x7FFFFFFF  }
tec
execute0_lowered:
.L_overlay_start_1:
0x0: {  	(tag) =	ssettag $0x1  }
0x1: {  	s0 =	rddreg [dreg:$0x0]  }
0x2: {  	s2 =	rddreg [dreg:$0x1]  }
0x3: {  	s1 =	rddreg [dreg:$0x2];
	s3 =	simm.s32 $0x0;
	s11 =	stileid.u32  }
0x4: {  	s4 =	srdreg.scid;
	s22 =	simm.s32 $0x12800;
	s23 =	simm.s32 $0x2  }
0x5: {  	s25 =	simm.s32 $0x50;
	s28 =	simm.s32 $0x1;
	s29 =	simm.s32 $0x0  }
0x6: {  	[smem:$0x7FF] =	sst s3;
	s6 =	sshll.u32 s11, $0xC;
	s5 =	smul.u32 $0x28000, s11  }
0x7: {  	s8 =	sand.u32 $0x1, s4;
	s4 =	sadd.s32 $0x11A00, s0;
	s31 =	smul.u32 $0xA000, s11  }
0x8: {  	_ =	strace $0x8000004D;
	s7 =	sadd.s32 s6, s0;
	s9 =	ssub.s32 $0x2, s8  }
0x9: {  	s0 =	sadd.s32 $0x39A00, s0;
	s18 =	smul.u32 $0xA0000, s8;
	s2 =	sadd.s32 s2, s6  }
0xa: {  	s26 =	smul.u32 $0xFFFFEC00, s8;
	s10 =	sshrl.u32 s9, $0x1;
	s5 =	sshrl.u32 s5, $0x2  }
0xb: {  	[dreg:$0x4] =	wrdreg s2;
	s7 =	sadd.s32 $0x1A00, s7;
	s14 =	sadd.s32 $0x2000, s31  }
0xc: {  	s17 =	sadd.s32 $0x4000, s31;
	s19 =	sadd.s32 $0x6000, s31;
	s2 =	sadd.s32 $0x8000, s31  }
0xd: {  	s9 =	ssub.s32 s9, s10;
	s5 =	sadd.s32 s5, s1;
	s12 =	sadd.s32 s18, s31  }
0xe: {  	s15 =	sadd.s32 s18, s14;
	s14 =	sadd.s32 s14, s1;
	s16 =	sadd.s32 s17, s1  }
0xf: {  	s17 =	sadd.s32 s18, s17;
	s20 =	sadd.s32 s18, s19;
	s21 =	sadd.s32 s18, s2  }
0x10: {  	s18 =	sadd.s32 s19, s1;
	v0 =	vmov s26;
	s26 =	simm.s32 $0x10000;
	s8 =	smax.u32 s9, $0x1  }
0x11: {  	s9 =	sadd.s32 $0x2000, s5;
	s10 =	sadd.s32 $0x4000, s5;
	s11 =	sadd.s32 $0x6000, s5  }
0x12: {  	s13 =	sshrl.u32 s12, $0x3;
	s12 =	sadd.s32 $0x8000, s5;
	s15 =	sshrl.u32 s15, $0x3  }
0x13: {  	s17 =	sshrl.u32 s17, $0x3;
	s20 =	sshrl.u32 s20, $0x3;
	s21 =	sshrl.u32 s21, $0x3  }
0x14: {  	s13 =	sadd.s32 s0, s13;
	s15 =	sadd.s32 s0, s15;
	s17 =	sadd.s32 s0, s17  }
0x15: {  	v1 =	vimm.f32 $0.0e+00;
	s19 =	sadd.s32 s0, s20;
	s20 =	sadd.s32 s2, s1;
	s21 =	sadd.s32 s0, s21  }
.LBB2_1:
0x16: {  	s0 =	sand.u32 $0x7E00, s3  }
0x17: {  	s2 =	sand.u32 $0x70, s3;
	s30 =	sshrl.u32 s0, $0x2  }
0x18: {  	s0 =	simm.s32 $0x40;
	s2 =	sor.u32 s2, s30;
	s30 =	simm.s32 $0x0  }
.LBB2_2:
0x19: {  	p0 =	sne.s32 s0, $0x7FC0  }
0x1a: {  	[tilespmem:s2+$0x12800] =	vst v1;
	s30 =	sadd.s32 $0x10, s30;
	s2 =	smov.u32 s0;
	s0 =	sadd.s32 $0x40, s0  }
.Ltmp0:
0x1b: {  	(pc) =	sbr.rel @p0 .LBB2_2-.Ltmp0, $4  }
0x1c: {  	_ = 	snop  }
0x1d: {  	s2 =	sand.u32 $0x7E00, s2  }
0x1e: {  	s31 =	sand.u32 $0x70, s30;
	s2 =	sshrl.u32 s2, $0x2  }
0x1f: {  	s2 =	sor.u32 s31, s2  }
0x20: {  	[tilespmem:s2+$0x12800] =	vst v1  }
0x21: {  	[spmem:s5] =	stream.linear.scatter [tilespmem:s22], [sflag:$0x2], $0x2000, $0x38;
	[tilespmem:$0x1E840] =	vst v63  }
0x22: {  	_ =	swait.ge [sflag:s23], $0x2000  }
0x23: {  	[sflag:s23] =	ssyncset.done $0x0  }
0x24: {  	[sflag:s23] =	ssyncadd.s32 $0xFFFFE000  }
0x25: {  	[spmem:s9] =	stream.linear.scatter [tilespmem:s22], [sflag:$0x2], $0x2000, $0x38;
	[tilespmem:$0x1E840] =	vst v63  }
0x26: {  	_ =	swait.ge [sflag:s23], $0x2000  }
0x27: {  	[sflag:s23] =	ssyncset.done $0x0  }
0x28: {  	[sflag:s23] =	ssyncadd.s32 $0xFFFFE000  }
0x29: {  	[spmem:s10] =	stream.linear.scatter [tilespmem:s22], [sflag:$0x2], $0x2000, $0x38;
	[tilespmem:$0x1E840] =	vst v63  }
0x2a: {  	_ =	swait.ge [sflag:s23], $0x2000  }
0x2b: {  	[sflag:s23] =	ssyncset.done $0x0  }
0x2c: {  	[sflag:s23] =	ssyncadd.s32 $0xFFFFE000  }
0x2d: {  	[spmem:s11] =	stream.linear.scatter [tilespmem:s22], [sflag:$0x2], $0x2000, $0x38;
	[tilespmem:$0x1E840] =	vst v63  }
0x2e: {  	_ =	swait.ge [sflag:s23], $0x2000  }
0x2f: {  	[sflag:s23] =	ssyncset.done $0x0  }
0x30: {  	[sflag:s23] =	ssyncadd.s32 $0xFFFFE000  }
0x31: {  	[spmem:s12] =	stream.linear.scatter [tilespmem:s22], [sflag:$0x2], $0x2000, $0x38;
	[tilespmem:$0x1E840] =	vst v63  }
0x32: {  	_ =	swait.ge [sflag:s23], $0x2000  }
0x33: {  	s0 =	simm.s32 $0x0;
	[sflag:s23] =	ssyncset.done $0x0  }
0x34: {  	s24 =	smul.u32 $0xCCCD, s0;
	[sflag:s23] =	ssyncadd.s32 $0xFFFFE000  }
0x35: {  	[bflag:$0x0] =	sbarrier.arrive $0xFFFF  }
0x36: {  	s24 =	sshrl.u32 s24, $0x12;
	s6 =	rddreg [dreg:$0x4]  }
0x37: {  	[tilespmem:s0], [sflag:$0x2] =	stream.linear.gather [hbm4b:s6+s0], $0x7D00, $0x38;
	[tilespmem:$0x1E840] =	vst v63  }
0x38: {  	s2 =	smul.u32 $0x5, s24;
	_ =	swait.ge [sflag:s23], $0x7D00  }
0x39: {  	s31 =	simm.s32 $0x1;
	[sflag:s23] =	ssyncset.done $0x0  }
0x3a: {  	s2 =	ssub.s32 $0x0, s2;
	s6 =	simm.s32 $0x8000;
	[sflag:s23] =	ssyncadd.s32 $0xFFFF8300  }
0x3b: {  	[tilespmem:s6], [sflag:$0x2] =	stream.linear.gather [hbm4b:s7+s0], $0x7D00, $0x38;
	[tilespmem:$0x1E840] =	vst v63  }
0x3c: {  	s30 =	sshll.u32 s24, $0x7;
	s2 =	sand.u32 $0xFFFF, s2;
	_ =	swait.ge [sflag:s23], $0x7D00  }
0x3d: {  	s24 =	sshll.u32 s2, $0x4;
	s2 =	smul.u32 $0xCCCD, s31;
	[sflag:s23] =	ssyncset.done $0x0  }
0x3e: {  	s30 =	sor.u32 s24, s30;
	s0 =	simm.s32 $0x2;
	[sflag:s23] =	ssyncadd.s32 $0xFFFF8300  }
.LBB2_4:
0x3f: {  	p0 =	sne.s32 s0, $0x4E1;
	v2 =	vld [tilespmem:s30+$0x8000]  }
0x40: {  	s2 =	sshrl.u32 s2, $0x12  }
0x41: {  	s24 =	smul.u32 $0x5, s2  }
.Ltmp1:
0x42: {  	(pc) =	sbr.rel @p0 .LBB2_4-.Ltmp1, $4  }
0x43: {  	s24 =	ssub.s32 s31, s24;
	s31 =	smov.u32 s0  }
0x44: {  	s24 =	sand.u32 $0xFFFF, s24;
	v2 =	vadd.s32 v0, v2  }
0x45: {  	s6 =	sshll.u32 s2, $0x7;
	s24 =	sshll.u32 s24, $0x4;
	v2 =	vmin.u32 v2, $0x1400  }
0x46: {  	s0 =	sadd.s32 $0x1, s0;
	s2 =	smul.u32 $0xCCCD, s31;
	[tilespmem:s30+$0x8000] =	vst v2;
	s30 =	sor.u32 s24, s6  }
0x47: {  	v2 =	vld [tilespmem:s30+$0x8000]  }
0x48: {  	s0 =	sshrl.u32 s2, $0x12  }
0x49: {  	s2 =	smul.u32 $0x5, s0;
	_ =	sdelay $0x1  }
0x4a: {  	s2 =	ssub.s32 s31, s2  }
0x4b: {  	s2 =	sand.u32 $0xFFFF, s2;
	v2 =	vadd.s32 v0, v2  }
0x4c: {  	s0 =	sshll.u32 s0, $0x7;
	s2 =	sshll.u32 s2, $0x4;
	v2 =	vmin.u32 v2, $0x1400  }
0x4d: {  	s0 =	sor.u32 s2, s0;
	[tilespmem:s30+$0x8000] =	vst v2  }
0x4e: {  	v2 =	vld [tilespmem:s0+$0x8000];
	_ =	sdelay $0x4  }
0x4f: {  	v2 =	vadd.s32 v0, v2  }
0x50: {  	v2 =	vmin.u32 v2, $0x1400  }
0x51: {  	s30 =	simm.s32 $0x0;
	[tilespmem:s0+$0x8000] =	vst v2  }
0x52: {  	[tilespmem:s26], [sflag:$0x1] =	stream.indirect.gather [hbm4b:s4+s25], $0x80, s30, s25, $0xb8;
	[tilespmem:$0x1E840] =	vst v63  }
0x53: {  	_ =	swait.ge [sflag:s28], $0x2800  }
0x54: {  	[sflag:s28] =	ssyncset.done $0x0  }
0x55: {  	s31 =	simm.s32 $0x8000;
	[sflag:s28] =	ssyncadd.s32 $0xFFFFD800  }
0x56: {  	[spmem:s1] =	stream.indirect.scatter.add.f32 [tilespmem:s26], [sflag:$0x2], $0x80, s31, s25, $0xb8;
	[tilespmem:$0x1E840] =	vst v63  }
0x57: {  	_ =	swait.ge [sflag:s23], $0x2800  }
0x58: {  	s2 =	simm.s32 $0x400;
	s0 =	simm.s32 $0x200;
	[sflag:s23] =	ssyncset.done $0x0  }
.LBB2_6:
0x59: {  	s6 =	sshra.s32 s0, $0x2  }
0x5a: {  	[sflag:s23] =	ssyncadd.s32 $0xFFFFD800;
	s0 =	smov.u32 s2;
	s24 =	sadd.s32 $0x200, s2  }
0x5b: {  	[tilespmem:s26], [sflag:$0x1] =	stream.indirect.gather [hbm4b:s4+s25], $0x80, s6, s25, $0xb8;
	[tilespmem:$0x1E840] =	vst v63  }
0x5c: {  	p0 =	sne.s32 s2, $0x1F200;
	_ =	swait.ge [sflag:s28], $0x2800  }
.Ltmp2:
0x5d: {  	[sflag:s28] =	ssyncset.done $0x0;
	(pc) =	sbr.rel @p0 .LBB2_6-.Ltmp2, $4  }
0x5e: {  	s2 =	sadd.s32 $0x8000, s6;
	[sflag:s28] =	ssyncadd.s32 $0xFFFFD800  }
0x5f: {  	[spmem:s1] =	stream.indirect.scatter.add.f32 [tilespmem:s26], [sflag:$0x2], $0x80, s2, s25, $0xb8;
	[tilespmem:$0x1E840] =	vst v63  }
0x60: {  	_ =	swait.ge [sflag:s23], $0x2800  }
0x61: {  	s2 =	smov.u32 s24;
	[sflag:s23] =	ssyncset.done $0x0  }
0x62: {  	s0 =	sshra.s32 s0, $0x2;
	[sflag:s23] =	ssyncadd.s32 $0xFFFFD800  }
0x63: {  	[tilespmem:s26], [sflag:$0x1] =	stream.indirect.gather [hbm4b:s4+s25], $0x80, s0, s25, $0xb8;
	[tilespmem:$0x1E840] =	vst v63  }
0x64: {  	_ =	swait.ge [sflag:s28], $0x2800  }
0x65: {  	[sflag:s28] =	ssyncset.done $0x0  }
0x66: {  	s0 =	sadd.s32 $0x8000, s0;
	[sflag:s28] =	ssyncadd.s32 $0xFFFFD800  }
0x67: {  	[spmem:s1] =	stream.indirect.scatter.add.f32 [tilespmem:s26], [sflag:$0x2], $0x80, s0, s25, $0xb8;
	[tilespmem:$0x1E840] =	vst v63  }
0x68: {  	_ =	swait.ge [sflag:s23], $0x2800  }
0x69: {  	[sflag:s23] =	ssyncset.done $0x0  }
0x6a: {  	[sflag:s23] =	ssyncadd.s32 $0xFFFFD800  }
0x6b: {  	[bflag:$0x0] =	sbarrier.arrive $0xFFFF  }
0x6c: {  	[tilespmem:s22], [sflag:$0x2] =	stream.linear.gather [spmem:s5], $0x2000, $0x38;
	[tilespmem:$0x1E840] =	vst v63  }
0x6d: {  	_ =	swait.ge [sflag:s23], $0x2000  }
0x6e: {  	[sflag:s23] =	ssyncset.done $0x0  }
0x6f: {  	[sflag:s23] =	ssyncadd.s32 $0xFFFFE000  }
0x70: {  	[hbm4b:s13+s3] =	stream.linear.scatter [tilespmem:s22], [sflag:$0x2], $0x2000, $0x38;
	[tilespmem:$0x1E840] =	vst v63  }
0x71: {  	_ =	swait.ge [sflag:s23], $0x2000  }
0x72: {  	[sflag:s23] =	ssyncset.done $0x0  }
0x73: {  	[sflag:s23] =	ssyncadd.s32 $0xFFFFE000  }
0x74: {  	[tilespmem:s22], [sflag:$0x2] =	stream.linear.gather [spmem:s14], $0x2000, $0x38;
	[tilespmem:$0x1E840] =	vst v63  }
0x75: {  	_ =	swait.ge [sflag:s23], $0x2000  }
0x76: {  	[sflag:s23] =	ssyncset.done $0x0  }
0x77: {  	[sflag:s23] =	ssyncadd.s32 $0xFFFFE000  }
0x78: {  	[hbm4b:s15+s3] =	stream.linear.scatter [tilespmem:s22], [sflag:$0x2], $0x2000, $0x38;
	[tilespmem:$0x1E840] =	vst v63  }
0x79: {  	_ =	swait.ge [sflag:s23], $0x2000  }
0x7a: {  	[sflag:s23] =	ssyncset.done $0x0  }
0x7b: {  	[sflag:s23] =	ssyncadd.s32 $0xFFFFE000  }
0x7c: {  	[tilespmem:s22], [sflag:$0x2] =	stream.linear.gather [spmem:s16], $0x2000, $0x38;
	[tilespmem:$0x1E840] =	vst v63  }
0x7d: {  	_ =	swait.ge [sflag:s23], $0x2000  }
0x7e: {  	[sflag:s23] =	ssyncset.done $0x0  }
0x7f: {  	[sflag:s23] =	ssyncadd.s32 $0xFFFFE000  }
0x80: {  	[hbm4b:s17+s3] =	stream.linear.scatter [tilespmem:s22], [sflag:$0x2], $0x2000, $0x38;
	[tilespmem:$0x1E840] =	vst v63  }
0x81: {  	_ =	swait.ge [sflag:s23], $0x2000  }
0x82: {  	[sflag:s23] =	ssyncset.done $0x0  }
0x83: {  	[sflag:s23] =	ssyncadd.s32 $0xFFFFE000  }
0x84: {  	[tilespmem:s22], [sflag:$0x2] =	stream.linear.gather [spmem:s18], $0x2000, $0x38;
	[tilespmem:$0x1E840] =	vst v63  }
0x85: {  	_ =	swait.ge [sflag:s23], $0x2000  }
0x86: {  	[sflag:s23] =	ssyncset.done $0x0  }
0x87: {  	[sflag:s23] =	ssyncadd.s32 $0xFFFFE000  }
0x88: {  	[hbm4b:s19+s3] =	stream.linear.scatter [tilespmem:s22], [sflag:$0x2], $0x2000, $0x38;
	[tilespmem:$0x1E840] =	vst v63  }
0x89: {  	_ =	swait.ge [sflag:s23], $0x2000  }
0x8a: {  	[sflag:s23] =	ssyncset.done $0x0  }
0x8b: {  	[sflag:s23] =	ssyncadd.s32 $0xFFFFE000  }
0x8c: {  	[tilespmem:s22], [sflag:$0x2] =	stream.linear.gather [spmem:s20], $0x2000, $0x38;
	[tilespmem:$0x1E840] =	vst v63  }
0x8d: {  	s29 =	sadd.s32 $0x1, s29;
	_ =	swait.ge [sflag:s23], $0x2000  }
0x8e: {  	p0 =	sne.s32 s29, s8;
	[sflag:s23] =	ssyncset.done $0x0  }
.Ltmp3:
0x8f: {  	[sflag:s23] =	ssyncadd.s32 $0xFFFFE000;
	(pc) =	sbr.rel @p0 .LBB2_1-.Ltmp3, $4  }
0x90: {  	[hbm4b:s21+s3] =	stream.linear.scatter [tilespmem:s22], [sflag:$0x2], $0x2000, $0x38;
	[tilespmem:$0x1E840] =	vst v63  }
0x91: {  	_ =	swait.ge [sflag:s23], $0x2000  }
0x92: {  	[sflag:s23] =	ssyncset.done $0x0  }
0x93: {  	[sflag:s23] =	ssyncadd.s32 $0xFFFFE000  }
0x94: {  	_ =	sfence.sel $0x180000  }
0x95: {  	[bflag:$0x0] =	sbarrier.arrive $0xFFFF  }
0x96: {  	_ =	strace $0x9000004D  }
0x97: {  	s0 =	stileid.u32;
	[bflag:$0x2] =	sbarrier.arrive $0xFFFF  }
0x98: {  	p0 =	sne.s32 s0, $0x0;
	s0 =	rddreg [dreg:$0x3]  }
0x99: {  	s0 =	sadd.s32 @!p0 $0x100000, s0  }
0x9a: {  	[sflag:s0] =	ssyncadd.tile.s32 @!p0 $0x1;
	_ =	shalt  }
.Lfunc_end2:
_tile_overlayer_lowered:
.L_overlay_start_2:
0x9b: {  	(tag) =	ssettag $0x2  }
0x9c: {  	s0 =	rddreg [dreg:$0x0];
	s2 =	stileid.u32  }
0x9d: {  	s1 =	rddreg [dreg:$0x1];
	p0 =	sne.s32 s2, $0x0  }
0x9e: {  	s3 =	rddreg [dreg:$0x2];
	[bflag:$0x3] =	sbarrier.arrive $0xFFFF;
	s2 =	simm.s32 @!p0 $0x1C02  }
0x9f: {  	[timem:s3], [sflag:s2] =	dma.local @!p0 [hbm:s0], s1  }
0xa0: {  	s0 =	simm.s32 @!p0 $0x2  }
0xa1: {  	_ =	swait.ge @!p0 [sflag:s0], s1  }
0xa2: {  	s1 =	ssub.s32 @!p0 $0x0, s1;
	[sflag:s0] =	ssyncset.done @!p0 $0x0  }
0xa3: {  	[sflag:s0] =	ssyncadd.s32 @!p0 s1  }
0xa4: {  	[bflag:$0x3] =	sbarrier.arrive $0xFFFF  }
0xa5: {  	_ =	shalt  }

// kernel: kernel.8.cloned.1.call-start
scs
__scs_entry_jumppad:
0x0: {  	(pc) =	sbr.rel $0x88, $3  }
0x1: {  	(tag) =	ssettag $0x0;
	lr =	simm.s32 $0x1  }
0x2: {  	[smem:$0x3F99] =	sst lr;
	_ =	strace $0xD0000000  }
0x3: {  	_ = 	snop  }
0x4: {  	_ = 	snop  }
0x5: {  	_ = 	snop  }
0x6: {  	_ = 	snop  }
0x7: {  	_ = 	snop  }
__scs_overlays_trampoline_lowered:
0x8: {  	[smem:$0x3FA8] =	sst s0  }
0x9: {  	[smem:$0x3FA9] =	sst s1  }
0xa: {  	[smem:$0x3FAA] =	sst s2  }
0xb: {  	[smem:$0x3FAB] =	sst s3  }
0xc: {  	[smem:$0x3FAC] =	sst s4  }
0xd: {  	[smem:$0x3FAD] =	sst s5  }
0xe: {  	[smem:$0x3FAE] =	sst s6  }
0xf: {  	[smem:$0x3FAF] =	sst s7  }
0x10: {  	[smem:$0x3FB0] =	sst s8  }
0x11: {  	[smem:$0x3FB1] =	sst s9;
	s0 =	simm.s32 @!p0 $0x0  }
0x12: {  	s1 =	sld [smem:$0x3F97];
	s0 =	simm.s32 @p0 $0x1  }
0x13: {  	[smem:$0x3FB2] =	sst s0;
	s0 =	simm.s32 @!p1 $0x0  }
0x14: {  	s2 =	sld [smem:$0x3F96];
	s0 =	simm.s32 @p1 $0x1  }
0x15: {  	[smem:$0x3FB3] =	sst s0;
	s0 =	simm.s32 @!p2 $0x0  }
0x16: {  	s3 =	sld [smem:$0x3FDB];
	s0 =	simm.s32 @p2 $0x1  }
0x17: {  	s4 =	simm.s32 $0x1BF5;
	[smem:$0x3FB5] =	sst s0  }
0x18: {  	s0 =	sld [smem:$0x3F98];
	_ =	swait.ge [sflag:s4], $0x0  }
0x19: {  	s7 =	sld [smem:$0x3F99]  }
0x1a: {  	s8 =	sadd.s32 $0xFFFFE003, lr  }
0x1b: {  	s9 =	sadd.s32 $0xFFFFFEF7, lr;
	s5 =	simm.s32 $0xFFFFFFFF;
	p2 =	slt.u32 s8, $0xFFFFF086  }
0x1c: {  	p1 =	slt.u32 s9, $0xF7A;
	s5 =	simm.s32 @!p2 $0x0  }
0x1d: {  	s5 =	simm.s32 @p1 $0x1;
	p0 =	seq.s32 s7, s2  }
0x1e: {  	s7 =	smul.u32 @!p0 $0xF7A, s2;
	p2 =	seq.s32 @!p0 s5, $0x0  }
0x1f: {  	s9 =	smul.u32 $0xF7A, s1;
	s8 =	simm.s32 @!p0 $0x1BF5;
	p2 =	por !p2, p0  }
0x20: {  	[sflag:s8] =	ssyncset.s32 @!p0 $0xFFFFF086;
	s6 =	sadd.s32 @!p0 s3, s7;
	s7 =	simm.s32 @!p0 $0x108  }
0x21: {  	s3 =	sadd.s32 s3, s9;
	s6 =	sadd.s32 @!p0 $0x88, s6;
	s7 =	simm.s32 @p2 $0x1082  }
0x22: {  	[simem:s7], [sflag:s8] =	dma.local @!p0 [hbm:s6], $0xF7A  }
0x23: {  	s9 =	sor.u32 $0xD0000000, s2;
	s6 =	simm.s32 $0x108;
	_ =	swait.ge @!p0 [sflag:s8], $0x0  }
0x24: {  	s3 =	sadd.s32 $0x88, s3;
	s6 =	simm.s32 @!p1 $0x1082;
	[sflag:s4] =	ssyncset.s32 $0xFFFFF086  }
0x25: {  	[simem:s6], [sflag:s4] =	dma.local [hbm:s3], $0xF7A  }
0x26: {  	[smem:$0x3F99] =	sst s1;
	(tag) =	ssettag s2;
	_ =	strace s9  }
0x27: {  	s1 =	sld [smem:$0x3FA9]  }
0x28: {  	s2 =	sld [smem:$0x3FAA]  }
0x29: {  	s4 =	sld [smem:$0x3FAC]  }
0x2a: {  	p0 =	seq.s32 s5, $0x0;
	s5 =	sld [smem:$0x3FAD]  }
0x2b: {  	s6 =	sld [smem:$0x3FAE]  }
0x2c: {  	s7 =	sld [smem:$0x3FAF]  }
0x2d: {  	s3 =	simm.s32 $0x108;
	s8 =	sld [smem:$0x3FB0]  }
0x2e: {  	s3 =	simm.s32 @!p0 $0x1082;
	s9 =	sld [smem:$0x3FB1]  }
0x2f: {  	lr =	sadd.s32 s0, s3;
	s0 =	sld [smem:$0x3FA8]  }
0x30: {  	s3 =	sld [smem:$0x3FAB]  }
0x31: {  	[smem:$0x3FB4] =	sst s10  }
0x32: {  	s10 =	sld [smem:$0x3FB2];
	_ =	sdelay $0x3  }
0x33: {  	p0 =	seq.s32 s10, $0x1;
	s10 =	sld [smem:$0x3FB4];
	_ =	sdelay $0x3  }
0x34: {  	[smem:$0x3FB4] =	sst s10  }
0x35: {  	s10 =	sld [smem:$0x3FB3];
	_ =	sdelay $0x3  }
0x36: {  	p1 =	seq.s32 s10, $0x1;
	s10 =	sld [smem:$0x3FB4];
	_ =	sdelay $0x3  }
0x37: {  	[smem:$0x3FB4] =	sst s10  }
0x38: {  	s10 =	sld [smem:$0x3FB5]  }
0x39: {  	_ = 	snop;
	(pc) =	sbr.ind lr, $3  }
0x3a: {  	_ = 	snop  }
0x3b: {  	_ = 	snop  }
0x3c: {  	p2 =	seq.s32 s10, $0x1;
	s10 =	sld [smem:$0x3FB4]  }
0x3d: {  	_ =	shalt  }
0x3e: {  	_ =	shalt  }
0x3f: {  	_ =	shalt  }
0x40: {  	_ =	shalt  }
0x41: {  	_ =	shalt  }
0x42: {  	_ =	shalt  }
0x43: {  	_ =	shalt  }
0x44: {  	_ =	shalt  }
0x45: {  	_ =	shalt  }
0x46: {  	_ =	shalt  }
0x47: {  	_ =	shalt  }
0x48: {  	_ =	shalt  }
0x49: {  	_ =	shalt  }
0x4a: {  	_ =	shalt  }
0x4b: {  	_ =	shalt  }
0x4c: {  	_ =	shalt  }
0x4d: {  	_ =	shalt  }
0x4e: {  	_ =	shalt  }
0x4f: {  	_ =	shalt  }
0x50: {  	_ =	shalt  }
0x51: {  	_ =	shalt  }
0x52: {  	_ =	shalt  }
0x53: {  	_ =	shalt  }
0x54: {  	_ =	shalt  }
0x55: {  	_ =	shalt  }
0x56: {  	_ =	shalt  }
0x57: {  	_ =	shalt  }
0x58: {  	_ =	shalt  }
0x59: {  	_ =	shalt  }
0x5a: {  	_ =	shalt  }
0x5b: {  	_ =	shalt  }
0x5c: {  	_ =	shalt  }
0x5d: {  	_ =	shalt  }
0x5e: {  	_ =	shalt  }
0x5f: {  	_ =	shalt  }
0x60: {  	_ =	shalt  }
0x61: {  	_ =	shalt  }
0x62: {  	_ =	shalt  }
0x63: {  	_ =	shalt  }
0x64: {  	_ =	shalt  }
0x65: {  	_ =	shalt  }
0x66: {  	_ =	shalt  }
0x67: {  	_ =	shalt  }
0x68: {  	_ =	shalt  }
0x69: {  	_ =	shalt  }
0x6a: {  	_ =	shalt  }
0x6b: {  	_ =	shalt  }
0x6c: {  	_ =	shalt  }
0x6d: {  	_ =	shalt  }
0x6e: {  	_ =	shalt  }
0x6f: {  	_ =	shalt  }
0x70: {  	_ =	shalt  }
0x71: {  	_ =	shalt  }
0x72: {  	_ =	shalt  }
0x73: {  	_ =	shalt  }
0x74: {  	_ =	shalt  }
0x75: {  	_ =	shalt  }
0x76: {  	_ =	shalt  }
0x77: {  	_ =	shalt  }
0x78: {  	_ =	shalt  }
0x79: {  	_ =	shalt  }
0x7a: {  	_ =	shalt  }
0x7b: {  	_ =	shalt  }
0x7c: {  	_ =	shalt  }
0x7d: {  	_ =	shalt  }
0x7e: {  	_ =	shalt  }
0x7f: {  	_ =	shalt  }
0x80: {  	_ =	shalt  }
0x81: {  	_ =	shalt  }
0x82: {  	_ =	shalt  }
0x83: {  	_ =	shalt  }
0x84: {  	_ =	shalt  }
0x85: {  	_ =	shalt  }
0x86: {  	_ =	shalt  }
0x87: {  	_ =	shalt  }
.Lfunc_end0:
.L_simem_size_0:
called_computation_lowered:
.L_overlay_start_0:
0x88: {  	s2 =	sld [smem:$0x3FD9]  }
0x89: {  	s3 =	sld [smem:$0x3FFE];
	_ =	sdelay $0x1  }
0x8a: {  	s1 =	srdreg.scid  }
0x8b: {  	s0 =	sand.u32 $0x1, s1  }
0x8c: {  	s17 =	sshll.u32 s0, $0xA;
	s2 =	sadd.s32 s3, s2  }
0x8d: {  	s2 =	sadd.s32 s2, s17  }
0x8e: {  	[smem:$0x3FC0] =	sst s2  }
0x8f: {  	_ = 	snop  }
0x90: {  	s2 =	sld [smem:$0x3FC9]  }
0x91: {  	s18 =	sld [smem:$0x3FD0];
	(tm) =	ssettm $0x1  }
0x92: {  	s4 =	sld [smem:$0x3FFB];
	_ =	sdelay $0x3  }
0x93: {  	_ =	strace s4  }
0x94: {  	s4 =	sld [smem:$0x3FFC];
	_ =	sdelay $0x3  }
0x95: {  	_ =	strace s4  }
0x96: {  	s4 =	sld [smem:$0x3FFD];
	_ =	sdelay $0x3  }
0x97: {  	_ =	strace s4  }
0x98: {  	_ =	strace $0x8FFFFFFF  }
0x99: {  	s19 =	sld [smem:$0x3FDB];
	_ =	sdelay $0x1  }
0x9a: {  	s5 =	simm.s32 $_scs_section_size  }
0x9b: {  	s6 =	simm.s32 $_size__tile_overlayer_lowered;
	s7 =	simm.s32 $_tile_overlayer_lowered  }
0x9c: {  	s22 =	simm.s32 $0x1BFF;
	s21 =	sshll.u32 s7, $0x1;
	s4 =	sadd.s32 s5, s19  }
0x9d: {  	s8 =	simm.s32 $0x0;
	s20 =	sshll.u32 s6, $0x1;
	s6 =	sadd.s32 s21, s4  }
0x9e: {  	[timem:s8], [sflag:s22] =	dma.local [hbm:s6], s20  }
0x9f: {  	_ =	swait.ge [sflag:s22], s20  }
0xa0: {  	s5 =	ssub.s32 $0x0, s20;
	[sflag:s22] =	ssyncset.done $0x0  }
0xa1: {  	[sflag:s22] =	ssyncadd.s32 s5;
	_ =	sdelay $0x1  }
0xa2: {  	s23 =	simm.s32 $0x1B8B  }
0xa3: {  	_ =	swait.ge [sflag:s23], $0x1  }
0xa4: {  	[sflag:s23] =	ssyncset.done $0x0  }
0xa5: {  	s25 =	simm.s32 $0x1B8E;
	s24 =	sld [smem:$0x3FFE];
	[sflag:s23] =	ssyncadd.s32 $0xFFFFFFFF  }
0xa6: {  	s26 =	simm.s32 $execute0_lowered;
	[smem:$0x3FD2] =	sst s25  }
0xa7: {  	s6 =	sshll.u32 s26, $0x1;
	_ =	strace $0x80000046;
	[dreg:$0x1] =	wrdreg $0xFFFFFFFF  }
0xa8: {  	s28 =	simm.s32 $_size_execute0_lowered;
	s4 =	sadd.s32 s4, s6;
	[dreg:$0x0] =	wrdreg $0x0  }
0xa9: {  	s6 =	sshll.u32 s28, $0x1;
	[dreg:$0x2] =	wrdreg s4  }
0xaa: {  	[dreg:$0x3] =	wrdreg s6  }
0xab: {  	[dreg:$0x4] =	wrdreg $0xC0  }
0xac: {  	_ =	task [dreg:s8], $0x5FFFF  }
0xad: {  	[dreg:$0x1] =	wrdreg $0xFFFFFFFF  }
0xae: {  	[dreg:$0x0] =	wrdreg $0x60  }
0xaf: {  	[dreg:$0x2] =	wrdreg s2  }
0xb0: {  	[dreg:$0x3] =	wrdreg s18  }
0xb1: {  	[dreg:$0x4] =	wrdreg s24  }
0xb2: {  	[dreg:$0x5] =	wrdreg $0x148000  }
0xb3: {  	[dreg:$0x6] =	wrdreg $0x9  }
0xb4: {  	_ =	task.clear_ibuf [dreg:s8], $0x7FFFF;
	_ =	strace $0x90000046  }
0xb5: {  	s29 =	simm.s32 $0x9;
	_ =	strace $0x80000048  }
0xb6: {  	_ =	swait.ge [sflag:s29], $0x1  }
0xb7: {  	[sflag:s29] =	ssyncadd.s32 $0xFFFFFFFF  }
0xb8: {  	_ =	strace $0x90000048  }
0xb9: {  	_ =	sfence  }
0xba: {  	s30 =	sld [smem:$0x0];
	_ =	sdelay $0x2  }
0xbb: {  	s31 =	sshll.u32 s1, $0xD;
	s1 =	sshrl.u32 s1, $0x2  }
0xbc: {  	s3 =	sand.u32 $0x4000, s31;
	s1 =	sadd.s32 s1, s30  }
0xbd: {  	s0 =	sor.u32 s3, s0;
	s1 =	sshll.u32 s1, $0x11  }
0xbe: {  	s0 =	sor.u32 s1, s0  }
0xbf: {  	s0 =	sadd.s32 $0x8F2B, s0  }
0xc0: {  	[sflag:s0] =	ssyncadd.remote.s32 $0x1  }
0xc1: {  	_ =	sfence.sel $0xFFFF  }
0xc2: {  	[dreg:$0x0] =	wrdreg $0xFFFFFFFF;
	(pc) =	sbr.abs _section_cstart, $3  }
0xc3: {  	[dreg:$0x1] =	wrdreg $0xFFFFFFFF  }
0xc4: {  	_ =	task.clear_ibuf [dreg:s8], $0x2FFFF;
	_ =	strace $0x9FFFFFFF  }
0xc5: {  	(tm) =	ssettm $0x7FFFFFFF  }
tec
execute0_lowered:
.L_overlay_start_1:
0x0: {  	(tag) =	ssettag $0x1  }
0x1: {  	s1 =	rddreg [dreg:$0x0]  }
0x2: {  	s0 =	rddreg [dreg:$0x1]  }
0x3: {  	s2 =	rddreg [dreg:$0x2]  }
0x4: {  	s3 =	rddreg [dreg:$0x3];
	s4 =	simm.s32 $0x0  }
0x5: {  	s11 =	stileid.u32;
	s5 =	srdreg.scid;
	s22 =	simm.s32 $0x12800  }
0x6: {  	s23 =	simm.s32 $0x2;
	s25 =	simm.s32 $0x50;
	s28 =	simm.s32 $0x1  }
0x7: {  	s29 =	simm.s32 $0x0;
	[smem:$0x7FF] =	sst s4;
	s30 =	smul.u32 $0x28000, s11  }
0x8: {  	s6 =	sshll.u32 s11, $0xC;
	s8 =	sand.u32 $0x1, s5;
	s31 =	smul.u32 $0xA000, s11  }
0x9: {  	_ =	strace $0x80000047;
	s7 =	sadd.s32 s6, s2;
	s9 =	ssub.s32 $0x2, s8  }
0xa: {  	s2 =	sadd.s32 $0x11A00, s2;
	s18 =	smul.u32 $0xA0000, s8;
	s0 =	sadd.s32 s0, s6  }
0xb: {  	s26 =	smul.u32 $0xFFFFEC00, s8;
	s10 =	sshrl.u32 s9, $0x1;
	s5 =	sshrl.u32 s30, $0x2  }
0xc: {  	[dreg:$0x5] =	wrdreg s0;
	s7 =	sadd.s32 $0x1A00, s7;
	s14 =	sadd.s32 $0x2000, s31  }
0xd: {  	s17 =	sadd.s32 $0x4000, s31;
	s19 =	sadd.s32 $0x6000, s31;
	s0 =	sadd.s32 $0x8000, s31  }
0xe: {  	s9 =	ssub.s32 s9, s10;
	s5 =	sadd.s32 s5, s3;
	s12 =	sadd.s32 s18, s31  }
0xf: {  	s15 =	sadd.s32 s18, s14;
	s14 =	sadd.s32 s14, s3;
	s16 =	sadd.s32 s17, s3  }
0x10: {  	s17 =	sadd.s32 s18, s17;
	s20 =	sadd.s32 s18, s19;
	s21 =	sadd.s32 s18, s0  }
0x11: {  	s18 =	sadd.s32 s19, s3;
	v0 =	vmov s26;
	s26 =	simm.s32 $0x10000;
	s8 =	smax.u32 s9, $0x1  }
0x12: {  	s9 =	sadd.s32 $0x2000, s5;
	s10 =	sadd.s32 $0x4000, s5;
	s11 =	sadd.s32 $0x6000, s5  }
0x13: {  	s13 =	sshrl.u32 s12, $0x3;
	s12 =	sadd.s32 $0x8000, s5;
	s15 =	sshrl.u32 s15, $0x3  }
0x14: {  	s17 =	sshrl.u32 s17, $0x3;
	s20 =	sshrl.u32 s20, $0x3;
	s21 =	sshrl.u32 s21, $0x3  }
0x15: {  	s13 =	sadd.s32 s2, s13;
	s15 =	sadd.s32 s2, s15;
	s17 =	sadd.s32 s2, s17  }
0x16: {  	v1 =	vimm.f32 $0.0e+00;
	s19 =	sadd.s32 s2, s20;
	s20 =	sadd.s32 s0, s3;
	s21 =	sadd.s32 s2, s21  }
.LBB2_1:
0x17: {  	s0 =	sand.u32 $0x7E00, s4  }
0x18: {  	s2 =	sand.u32 $0x70, s4;
	s30 =	sshrl.u32 s0, $0x2  }
0x19: {  	s0 =	simm.s32 $0x40;
	s2 =	sor.u32 s2, s30;
	s30 =	simm.s32 $0x0  }
.LBB2_2:
0x1a: {  	p0 =	sne.s32 s0, $0x7FC0  }
0x1b: {  	[tilespmem:s2+$0x12800] =	vst v1;
	s30 =	sadd.s32 $0x10, s30;
	s2 =	smov.u32 s0;
	s0 =	sadd.s32 $0x40, s0  }
.Ltmp0:
0x1c: {  	(pc) =	sbr.rel @p0 .LBB2_2-.Ltmp0, $4  }
0x1d: {  	_ = 	snop  }
0x1e: {  	s2 =	sand.u32 $0x7E00, s2  }
0x1f: {  	s31 =	sand.u32 $0x70, s30;
	s2 =	sshrl.u32 s2, $0x2  }
0x20: {  	s2 =	sor.u32 s31, s2  }
0x21: {  	[tilespmem:s2+$0x12800] =	vst v1  }
0x22: {  	[spmem:s5] =	stream.linear.scatter [tilespmem:s22], [sflag:$0x2], $0x2000, $0x38;
	[tilespmem:$0x1E840] =	vst v63  }
0x23: {  	_ =	swait.ge [sflag:s23], $0x2000  }
0x24: {  	[sflag:s23] =	ssyncset.done $0x0  }
0x25: {  	[sflag:s23] =	ssyncadd.s32 $0xFFFFE000  }
0x26: {  	[spmem:s9] =	stream.linear.scatter [tilespmem:s22], [sflag:$0x2], $0x2000, $0x38;
	[tilespmem:$0x1E840] =	vst v63  }
0x27: {  	_ =	swait.ge [sflag:s23], $0x2000  }
0x28: {  	[sflag:s23] =	ssyncset.done $0x0  }
0x29: {  	[sflag:s23] =	ssyncadd.s32 $0xFFFFE000  }
0x2a: {  	[spmem:s10] =	stream.linear.scatter [tilespmem:s22], [sflag:$0x2], $0x2000, $0x38;
	[tilespmem:$0x1E840] =	vst v63  }
0x2b: {  	_ =	swait.ge [sflag:s23], $0x2000  }
0x2c: {  	[sflag:s23] =	ssyncset.done $0x0  }
0x2d: {  	[sflag:s23] =	ssyncadd.s32 $0xFFFFE000  }
0x2e: {  	[spmem:s11] =	stream.linear.scatter [tilespmem:s22], [sflag:$0x2], $0x2000, $0x38;
	[tilespmem:$0x1E840] =	vst v63  }
0x2f: {  	_ =	swait.ge [sflag:s23], $0x2000  }
0x30: {  	[sflag:s23] =	ssyncset.done $0x0  }
0x31: {  	[sflag:s23] =	ssyncadd.s32 $0xFFFFE000  }
0x32: {  	[spmem:s12] =	stream.linear.scatter [tilespmem:s22], [sflag:$0x2], $0x2000, $0x38;
	[tilespmem:$0x1E840] =	vst v63  }
0x33: {  	_ =	swait.ge [sflag:s23], $0x2000  }
0x34: {  	s0 =	simm.s32 $0x0;
	[sflag:s23] =	ssyncset.done $0x0  }
0x35: {  	s24 =	smul.u32 $0xCCCD, s0;
	[sflag:s23] =	ssyncadd.s32 $0xFFFFE000  }
0x36: {  	[bflag:$0x0] =	sbarrier.arrive $0xFFFF  }
0x37: {  	s24 =	sshrl.u32 s24, $0x12;
	s6 =	rddreg [dreg:$0x5]  }
0x38: {  	[tilespmem:s0], [sflag:$0x2] =	stream.linear.gather [hbm4b:s6+s0], $0x7D00, $0x38;
	[tilespmem:$0x1E840] =	vst v63  }
0x39: {  	s2 =	smul.u32 $0x5, s24;
	_ =	swait.ge [sflag:s23], $0x7D00  }
0x3a: {  	s31 =	simm.s32 $0x1;
	[sflag:s23] =	ssyncset.done $0x0  }
0x3b: {  	s2 =	ssub.s32 $0x0, s2;
	s6 =	simm.s32 $0x8000;
	[sflag:s23] =	ssyncadd.s32 $0xFFFF8300  }
0x3c: {  	[tilespmem:s6], [sflag:$0x2] =	stream.linear.gather [hbm4b:s7+s0], $0x7D00, $0x38;
	[tilespmem:$0x1E840] =	vst v63  }
0x3d: {  	s30 =	sshll.u32 s24, $0x7;
	s2 =	sand.u32 $0xFFFF, s2;
	_ =	swait.ge [sflag:s23], $0x7D00  }
0x3e: {  	s24 =	sshll.u32 s2, $0x4;
	s2 =	smul.u32 $0xCCCD, s31;
	[sflag:s23] =	ssyncset.done $0x0  }
0x3f: {  	s30 =	sor.u32 s24, s30;
	s0 =	simm.s32 $0x2;
	[sflag:s23] =	ssyncadd.s32 $0xFFFF8300  }
.LBB2_4:
0x40: {  	p0 =	sne.s32 s0, $0x4E1;
	v2 =	vld [tilespmem:s30+$0x8000]  }
0x41: {  	s2 =	sshrl.u32 s2, $0x12  }
0x42: {  	s24 =	smul.u32 $0x5, s2  }
.Ltmp1:
0x43: {  	(pc) =	sbr.rel @p0 .LBB2_4-.Ltmp1, $4  }
0x44: {  	s24 =	ssub.s32 s31, s24;
	s31 =	smov.u32 s0  }
0x45: {  	s24 =	sand.u32 $0xFFFF, s24;
	v2 =	vadd.s32 v0, v2  }
0x46: {  	s6 =	sshll.u32 s2, $0x7;
	s24 =	sshll.u32 s24, $0x4;
	v2 =	vmin.u32 v2, $0x1400  }
0x47: {  	s0 =	sadd.s32 $0x1, s0;
	s2 =	smul.u32 $0xCCCD, s31;
	[tilespmem:s30+$0x8000] =	vst v2;
	s30 =	sor.u32 s24, s6  }
0x48: {  	v2 =	vld [tilespmem:s30+$0x8000]  }
0x49: {  	s0 =	sshrl.u32 s2, $0x12  }
0x4a: {  	s2 =	smul.u32 $0x5, s0;
	_ =	sdelay $0x1  }
0x4b: {  	s2 =	ssub.s32 s31, s2  }
0x4c: {  	s2 =	sand.u32 $0xFFFF, s2;
	v2 =	vadd.s32 v0, v2  }
0x4d: {  	s0 =	sshll.u32 s0, $0x7;
	s2 =	sshll.u32 s2, $0x4;
	v2 =	vmin.u32 v2, $0x1400  }
0x4e: {  	s0 =	sor.u32 s2, s0;
	[tilespmem:s30+$0x8000] =	vst v2  }
0x4f: {  	v2 =	vld [tilespmem:s0+$0x8000];
	_ =	sdelay $0x4  }
0x50: {  	v2 =	vadd.s32 v0, v2  }
0x51: {  	v2 =	vmin.u32 v2, $0x1400  }
0x52: {  	s30 =	simm.s32 $0x0;
	[tilespmem:s0+$0x8000] =	vst v2  }
0x53: {  	[tilespmem:s26], [sflag:$0x1] =	stream.indirect.gather [hbm4b:s1+s25], $0x80, s30, s25, $0xb8;
	[tilespmem:$0x1E840] =	vst v63  }
0x54: {  	_ =	swait.ge [sflag:s28], $0x2800  }
0x55: {  	[sflag:s28] =	ssyncset.done $0x0  }
0x56: {  	s31 =	simm.s32 $0x8000;
	[sflag:s28] =	ssyncadd.s32 $0xFFFFD800  }
0x57: {  	[spmem:s3] =	stream.indirect.scatter.add.f32 [tilespmem:s26], [sflag:$0x2], $0x80, s31, s25, $0xb8;
	[tilespmem:$0x1E840] =	vst v63  }
0x58: {  	_ =	swait.ge [sflag:s23], $0x2800  }
0x59: {  	s2 =	simm.s32 $0x400;
	s0 =	simm.s32 $0x200;
	[sflag:s23] =	ssyncset.done $0x0  }
.LBB2_6:
0x5a: {  	s6 =	sshra.s32 s0, $0x2  }
0x5b: {  	[sflag:s23] =	ssyncadd.s32 $0xFFFFD800;
	s0 =	smov.u32 s2;
	s24 =	sadd.s32 $0x200, s2  }
0x5c: {  	[tilespmem:s26], [sflag:$0x1] =	stream.indirect.gather [hbm4b:s1+s25], $0x80, s6, s25, $0xb8;
	[tilespmem:$0x1E840] =	vst v63  }
0x5d: {  	p0 =	sne.s32 s2, $0x1F200;
	_ =	swait.ge [sflag:s28], $0x2800  }
.Ltmp2:
0x5e: {  	[sflag:s28] =	ssyncset.done $0x0;
	(pc) =	sbr.rel @p0 .LBB2_6-.Ltmp2, $4  }
0x5f: {  	s2 =	sadd.s32 $0x8000, s6;
	[sflag:s28] =	ssyncadd.s32 $0xFFFFD800  }
0x60: {  	[spmem:s3] =	stream.indirect.scatter.add.f32 [tilespmem:s26], [sflag:$0x2], $0x80, s2, s25, $0xb8;
	[tilespmem:$0x1E840] =	vst v63  }
0x61: {  	_ =	swait.ge [sflag:s23], $0x2800  }
0x62: {  	s2 =	smov.u32 s24;
	[sflag:s23] =	ssyncset.done $0x0  }
0x63: {  	s0 =	sshra.s32 s0, $0x2;
	[sflag:s23] =	ssyncadd.s32 $0xFFFFD800  }
0x64: {  	[tilespmem:s26], [sflag:$0x1] =	stream.indirect.gather [hbm4b:s1+s25], $0x80, s0, s25, $0xb8;
	[tilespmem:$0x1E840] =	vst v63  }
0x65: {  	_ =	swait.ge [sflag:s28], $0x2800  }
0x66: {  	[sflag:s28] =	ssyncset.done $0x0  }
0x67: {  	s0 =	sadd.s32 $0x8000, s0;
	[sflag:s28] =	ssyncadd.s32 $0xFFFFD800  }
0x68: {  	[spmem:s3] =	stream.indirect.scatter.add.f32 [tilespmem:s26], [sflag:$0x2], $0x80, s0, s25, $0xb8;
	[tilespmem:$0x1E840] =	vst v63  }
0x69: {  	_ =	swait.ge [sflag:s23], $0x2800  }
0x6a: {  	[sflag:s23] =	ssyncset.done $0x0  }
0x6b: {  	[sflag:s23] =	ssyncadd.s32 $0xFFFFD800  }
0x6c: {  	[bflag:$0x0] =	sbarrier.arrive $0xFFFF  }
0x6d: {  	[tilespmem:s22], [sflag:$0x2] =	stream.linear.gather [spmem:s5], $0x2000, $0x38;
	[tilespmem:$0x1E840] =	vst v63  }
0x6e: {  	_ =	swait.ge [sflag:s23], $0x2000  }
0x6f: {  	[sflag:s23] =	ssyncset.done $0x0  }
0x70: {  	[sflag:s23] =	ssyncadd.s32 $0xFFFFE000  }
0x71: {  	[hbm4b:s13+s4] =	stream.linear.scatter [tilespmem:s22], [sflag:$0x2], $0x2000, $0x38;
	[tilespmem:$0x1E840] =	vst v63  }
0x72: {  	_ =	swait.ge [sflag:s23], $0x2000  }
0x73: {  	[sflag:s23] =	ssyncset.done $0x0  }
0x74: {  	[sflag:s23] =	ssyncadd.s32 $0xFFFFE000  }
0x75: {  	[tilespmem:s22], [sflag:$0x2] =	stream.linear.gather [spmem:s14], $0x2000, $0x38;
	[tilespmem:$0x1E840] =	vst v63  }
0x76: {  	_ =	swait.ge [sflag:s23], $0x2000  }
0x77: {  	[sflag:s23] =	ssyncset.done $0x0  }
0x78: {  	[sflag:s23] =	ssyncadd.s32 $0xFFFFE000  }
0x79: {  	[hbm4b:s15+s4] =	stream.linear.scatter [tilespmem:s22], [sflag:$0x2], $0x2000, $0x38;
	[tilespmem:$0x1E840] =	vst v63  }
0x7a: {  	_ =	swait.ge [sflag:s23], $0x2000  }
0x7b: {  	[sflag:s23] =	ssyncset.done $0x0  }
0x7c: {  	[sflag:s23] =	ssyncadd.s32 $0xFFFFE000  }
0x7d: {  	[tilespmem:s22], [sflag:$0x2] =	stream.linear.gather [spmem:s16], $0x2000, $0x38;
	[tilespmem:$0x1E840] =	vst v63  }
0x7e: {  	_ =	swait.ge [sflag:s23], $0x2000  }
0x7f: {  	[sflag:s23] =	ssyncset.done $0x0  }
0x80: {  	[sflag:s23] =	ssyncadd.s32 $0xFFFFE000  }
0x81: {  	[hbm4b:s17+s4] =	stream.linear.scatter [tilespmem:s22], [sflag:$0x2], $0x2000, $0x38;
	[tilespmem:$0x1E840] =	vst v63  }
0x82: {  	_ =	swait.ge [sflag:s23], $0x2000  }
0x83: {  	[sflag:s23] =	ssyncset.done $0x0  }
0x84: {  	[sflag:s23] =	ssyncadd.s32 $0xFFFFE000  }
0x85: {  	[tilespmem:s22], [sflag:$0x2] =	stream.linear.gather [spmem:s18], $0x2000, $0x38;
	[tilespmem:$0x1E840] =	vst v63  }
0x86: {  	_ =	swait.ge [sflag:s23], $0x2000  }
0x87: {  	[sflag:s23] =	ssyncset.done $0x0  }
0x88: {  	[sflag:s23] =	ssyncadd.s32 $0xFFFFE000  }
0x89: {  	[hbm4b:s19+s4] =	stream.linear.scatter [tilespmem:s22], [sflag:$0x2], $0x2000, $0x38;
	[tilespmem:$0x1E840] =	vst v63  }
0x8a: {  	_ =	swait.ge [sflag:s23], $0x2000  }
0x8b: {  	[sflag:s23] =	ssyncset.done $0x0  }
0x8c: {  	[sflag:s23] =	ssyncadd.s32 $0xFFFFE000  }
0x8d: {  	[tilespmem:s22], [sflag:$0x2] =	stream.linear.gather [spmem:s20], $0x2000, $0x38;
	[tilespmem:$0x1E840] =	vst v63  }
0x8e: {  	s29 =	sadd.s32 $0x1, s29;
	_ =	swait.ge [sflag:s23], $0x2000  }
0x8f: {  	p0 =	sne.s32 s29, s8;
	[sflag:s23] =	ssyncset.done $0x0  }
.Ltmp3:
0x90: {  	[sflag:s23] =	ssyncadd.s32 $0xFFFFE000;
	(pc) =	sbr.rel @p0 .LBB2_1-.Ltmp3, $4  }
0x91: {  	[hbm4b:s21+s4] =	stream.linear.scatter [tilespmem:s22], [sflag:$0x2], $0x2000, $0x38;
	[tilespmem:$0x1E840] =	vst v63  }
0x92: {  	_ =	swait.ge [sflag:s23], $0x2000  }
0x93: {  	[sflag:s23] =	ssyncset.done $0x0  }
0x94: {  	[sflag:s23] =	ssyncadd.s32 $0xFFFFE000  }
0x95: {  	_ =	sfence.sel $0x180000  }
0x96: {  	[bflag:$0x0] =	sbarrier.arrive $0xFFFF  }
0x97: {  	_ =	strace $0x90000047  }
0x98: {  	s0 =	stileid.u32;
	[bflag:$0x2] =	sbarrier.arrive $0xFFFF  }
0x99: {  	p0 =	sne.s32 s0, $0x0;
	s0 =	rddreg [dreg:$0x4]  }
0x9a: {  	s0 =	sadd.s32 @!p0 $0x100000, s0  }
0x9b: {  	[sflag:s0] =	ssyncadd.tile.s32 @!p0 $0x1;
	_ =	shalt  }
.Lfunc_end2:
_tile_overlayer_lowered:
.L_overlay_start_2:
0x9c: {  	(tag) =	ssettag $0x2  }
0x9d: {  	s0 =	rddreg [dreg:$0x0];
	s2 =	stileid.u32  }
0x9e: {  	s1 =	rddreg [dreg:$0x1];
	p0 =	sne.s32 s2, $0x0  }
0x9f: {  	s3 =	rddreg [dreg:$0x2];
	[bflag:$0x3] =	sbarrier.arrive $0xFFFF;
	s2 =	simm.s32 @!p0 $0x1C02  }
0xa0: {  	[timem:s3], [sflag:s2] =	dma.local @!p0 [hbm:s0], s1  }
0xa1: {  	s0 =	simm.s32 @!p0 $0x2  }
0xa2: {  	_ =	swait.ge @!p0 [sflag:s0], s1  }
0xa3: {  	s1 =	ssub.s32 @!p0 $0x0, s1;
	[sflag:s0] =	ssyncset.done @!p0 $0x0  }
0xa4: {  	[sflag:s0] =	ssyncadd.s32 @!p0 s1  }
0xa5: {  	[bflag:$0x3] =	sbarrier.arrive $0xFFFF  }
0xa6: {  	_ =	shalt  }

</sc_bundles>
